<compile_context>
chip_gen: v7x
topology: tpu7x:2x2x1
jax: 0.10.2.dev20260603
libtpu: 0.0.44.dev20260713+nightly
codegen_flags: <defaults>
</compile_context>

<pallas_src>
import functools

import jax
import jax.numpy as jnp
from jax import lax
from jax.experimental import pallas as pl
from jax.experimental.pallas import tpu as pltpu
from jax.experimental.pallas import tpu_sc as plsc

N = 10000
NUM_HE = 10000
E = 320000
XD = 128
HD = 128
GD = 128
PD = HD + GD

NC = 2
NS = 16
K = 128
NBJ = 2
GI = 80
NBURST = GI // NBJ
EP = NC * NS * GI * K
NP = 10112
DUMP = N
RPW = NP // NS
R = 1000


def _tc1_body(f_ref, t_ref, wphi_ref, bphi_ref, whg_ref, phi_ref, xw_ref):
    phi = jnp.maximum(
        jnp.dot(f_ref[...], wphi_ref[...], preferred_element_type=jnp.float32)
        + bphi_ref[...], 0.0)
    phi_ref[...] = phi
    xw_ref[...] = jnp.dot(t_ref[...] * phi, whg_ref[...],
                          preferred_element_type=jnp.float32)


_tc1 = pl.pallas_call(
    _tc1_body,
    grid=(N // R,),
    in_specs=[
        pl.BlockSpec((R, XD), lambda i: (i, 0)),
        pl.BlockSpec((R, 1), lambda i: (i, 0)),
        pl.BlockSpec((XD, HD), lambda i: (0, 0)),
        pl.BlockSpec((1, HD), lambda i: (0, 0)),
        pl.BlockSpec((HD, GD), lambda i: (0, 0)),
    ],
    out_specs=[
        pl.BlockSpec((R, HD), lambda i: (i, 0)),
        pl.BlockSpec((R, GD), lambda i: (i, 0)),
    ],
    out_shape=[
        jax.ShapeDtypeStruct((N, HD), jnp.float32),
        jax.ShapeDtypeStruct((N, GD), jnp.float32),
    ],
)


def _tc2_body(pe_ref, pb_ref, ef_ref):
    s = pe_ref[0] + pe_ref[1]
    b = pb_ref[0] + pb_ref[1]
    binv = jnp.where(b > 0, 1.0 / jnp.maximum(b, 1.0), 0.0)
    ef_ref[...] = binv * s


_tc2 = pl.pallas_call(
    _tc2_body,
    grid=(N // R,),
    in_specs=[
        pl.BlockSpec((NC, R, GD), lambda i: (0, i, 0)),
        pl.BlockSpec((NC, R, 1), lambda i: (0, i, 0)),
    ],
    out_specs=pl.BlockSpec((R, GD), lambda i: (i, 0)),
    out_shape=jax.ShapeDtypeStruct((N, GD), jnp.float32),
)


def _tc3_body(pn_ref, pd_ref, phi_ref, bias_ref,
              w00a_ref, w00b_ref, b00_ref,
              w10a_ref, w10b_ref, b10_ref,
              w01_ref, b01_ref, w11_ref, b11_ref,
              y1_ref, y0_ref):
    q = pn_ref[0] + pn_ref[1]
    d = pd_ref[0] + pd_ref[1]
    dinv = jnp.where(d > 0, 1.0 / jnp.maximum(d, 1.0), 0.0)
    rep = dinv * q + bias_ref[...]
    phi = phi_ref[...]
    y00 = jnp.maximum(
        jnp.dot(phi, w00a_ref[...], preferred_element_type=jnp.float32)
        + jnp.dot(rep, w00b_ref[...], preferred_element_type=jnp.float32)
        + b00_ref[...], 0.0)
    y10 = jnp.maximum(
        jnp.dot(phi, w10a_ref[...], preferred_element_type=jnp.float32)
        + jnp.dot(rep, w10b_ref[...], preferred_element_type=jnp.float32)
        + b10_ref[...], 0.0)
    y0_ref[...] = jnp.dot(y00, w01_ref[...],
                          preferred_element_type=jnp.float32) + b01_ref[...]
    y1_ref[...] = jnp.dot(y10, w11_ref[...],
                          preferred_element_type=jnp.float32) + b11_ref[...]


_tc3 = pl.pallas_call(
    _tc3_body,
    grid=(N // R,),
    in_specs=[
        pl.BlockSpec((NC, R, GD), lambda i: (0, i, 0)),
        pl.BlockSpec((NC, R, 1), lambda i: (0, i, 0)),
        pl.BlockSpec((R, HD), lambda i: (i, 0)),
        pl.BlockSpec((1, GD), lambda i: (0, 0)),
        pl.BlockSpec((HD, PD), lambda i: (0, 0)),
        pl.BlockSpec((GD, PD), lambda i: (0, 0)),
        pl.BlockSpec((1, PD), lambda i: (0, 0)),
        pl.BlockSpec((HD, PD), lambda i: (0, 0)),
        pl.BlockSpec((GD, PD), lambda i: (0, 0)),
        pl.BlockSpec((1, PD), lambda i: (0, 0)),
        pl.BlockSpec((PD, 1), lambda i: (0, 0)),
        pl.BlockSpec((1, 1), lambda i: (0, 0)),
        pl.BlockSpec((PD, 1), lambda i: (0, 0)),
        pl.BlockSpec((1, 1), lambda i: (0, 0)),
    ],
    out_specs=[
        pl.BlockSpec((R, 1), lambda i: (i, 0)),
        pl.BlockSpec((R, 1), lambda i: (i, 0)),
    ],
    out_shape=[
        jax.ShapeDtypeStruct((N, 1), jnp.float32),
        jax.ShapeDtypeStruct((N, 1), jnp.float32),
    ],
)


def _build_sc_pass(mesh, with_counts):
    out_type = [jax.ShapeDtypeStruct((NC, NP, GD), jnp.float32)]
    scratch = [
        pltpu.VMEM_SHARED((NP, GD), jnp.float32),
        pltpu.VMEM((2, NBJ, K), jnp.int32),
        pltpu.VMEM((2, NBJ, K), jnp.int32),
        pltpu.VMEM((NBJ, K, GD), jnp.float32),
    ]
    if with_counts:
        out_type += [jax.ShapeDtypeStruct((NC, NP), jnp.float32),
                     jax.ShapeDtypeStruct((NC, NP), jnp.float32)]
        scratch += [pltpu.VMEM_SHARED((NP,), jnp.float32),
                    pltpu.VMEM_SHARED((NP,), jnp.float32),
                    pltpu.VMEM((K,), jnp.float32)]
    scratch += [pltpu.SemaphoreType.DMA] * (2 * NBJ + 1)

    @functools.partial(pl.kernel, mesh=mesh, out_type=out_type,
                       scratch_types=scratch)
    def sc_pass(*refs):
        if with_counts:
            (table, gidx, sidx, zrows, zcnt, ones_hbm,
             acc_out, pb_out, pd_out,
             acc, gring, sring, rows, bcnt, dcnt, ones, *sems) = refs
        else:
            (table, gidx, sidx, zrows,
             acc_out, acc, gring, sring, rows, *sems) = refs
        gsem = sems[:NBJ]
        ssem = sems[NBJ:2 * NBJ]
        isem = sems[2 * NBJ]
        cid = lax.axis_index("c")
        sid = lax.axis_index("s")

        pltpu.sync_copy(zrows, acc.at[pl.ds(sid * RPW, RPW)])
        if with_counts:
            @pl.when(sid == 0)
            def _zero_counts():
                pltpu.sync_copy(zcnt, bcnt)
                pltpu.sync_copy(zcnt, dcnt)
            pltpu.sync_copy(ones_hbm, ones)
        pltpu.sync_copy(gidx.at[cid, sid, pl.ds(0, NBJ)], gring.at[0])
        pltpu.sync_copy(sidx.at[cid, sid, pl.ds(0, NBJ)], sring.at[0])
        plsc.subcore_barrier()

        def outer(t, carry):
            p = lax.rem(t, 2)
            q = 1 - p
            tn = jnp.minimum(t + 1, NBURST - 1)
            dg = [pltpu.async_copy(table.at[gring.at[p, j]], rows.at[j],
                                   gsem[j])
                  for j in range(NBJ)]
            di = [pltpu.async_copy(gidx.at[cid, sid, pl.ds(tn * NBJ, NBJ)],
                                   gring.at[q], isem),
                  pltpu.async_copy(sidx.at[cid, sid, pl.ds(tn * NBJ, NBJ)],
                                   sring.at[q], isem)]
            ds = []
            for j in range(NBJ):
                dg[j].wait()
                ds.append(pltpu.async_copy(rows.at[j], acc.at[sring.at[p, j]],
                                           ssem[j], add=True))
                if with_counts:
                    ds.append(pltpu.async_copy(ones, bcnt.at[sring.at[p, j]],
                                               ssem[j], add=True))
                    ds.append(pltpu.async_copy(ones, dcnt.at[gring.at[p, j]],
                                               ssem[j], add=True))
            for d in ds + di:
                d.wait()
            return carry

        lax.fori_loop(0, NBURST, outer, 0)
        plsc.subcore_barrier()
        pltpu.sync_copy(acc.at[pl.ds(sid * RPW, RPW)],
                        acc_out.at[cid, pl.ds(sid * RPW, RPW)])
        if with_counts:
            @pl.when(sid == 0)
            def _flush_counts():
                pltpu.sync_copy(bcnt, pb_out.at[cid])
                pltpu.sync_copy(dcnt, pd_out.at[cid])

    return sc_pass


@functools.lru_cache(maxsize=1)
def _sc_kernels():
    mesh = plsc.VectorSubcoreMesh(core_axis_name="c", subcore_axis_name="s")
    return _build_sc_pass(mesh, True), _build_sc_pass(mesh, False)


def kernel(features, treatments, hyperedge_index, W_phi, b_phi, W_hg, bias_hg,
           W_t00, b_t00, W_t10, b_t10, W_t01, b_t01, W_t11, b_t11):
    phi_x, xw = _tc1(features, treatments.reshape(N, 1), W_phi,
                     b_phi.reshape(1, HD), W_hg)

    node_idx = hyperedge_index[0]
    edge_idx = hyperedge_index[1]
    pad = EP - E
    pad0 = jnp.zeros((pad,), jnp.int32)
    padd = jnp.full((pad,), DUMP, jnp.int32)
    n_g = jnp.concatenate([node_idx, pad0]).reshape(NC, NS, GI, K)
    n_s = jnp.concatenate([node_idx, padd]).reshape(NC, NS, GI, K)
    e_g = jnp.concatenate([edge_idx, pad0]).reshape(NC, NS, GI, K)
    e_s = jnp.concatenate([edge_idx, padd]).reshape(NC, NS, GI, K)

    zrows = jnp.zeros((RPW, GD), jnp.float32)
    zcnt = jnp.zeros((NP,), jnp.float32)
    onearr = jnp.ones((K,), jnp.float32)

    sc_pass_a, sc_pass_b = _sc_kernels()
    pe, pb, pd = sc_pass_a(xw, n_g, e_s, zrows, zcnt, onearr)
    ef = _tc2(pe, pb.reshape(NC, NP, 1))
    [pn] = sc_pass_b(ef, e_g, n_s, zrows)
    y1, y0 = _tc3(pn, pd.reshape(NC, NP, 1), phi_x, bias_hg.reshape(1, GD),
                  W_t00[:HD], W_t00[HD:], b_t00.reshape(1, PD),
                  W_t10[:HD], W_t10[HD:], b_t10.reshape(1, PD),
                  W_t01, b_t01.reshape(1, 1),
                  W_t11, b_t11.reshape(1, 1))
    return y1.reshape(-1), y0.reshape(-1), phi_x

# --- scband reference (transcript-rebuilt; emitter-appended) ---
"""Pipeline reference for scband-hyper-sci-58909771432451 (READ-ONLY COPY).

The authoritative reference and input builder live on the scoring server;
editing this copy changes nothing except your own understanding.
"""

import jax, jax.numpy as jnp
import numpy as np

N = 10000
E_INC = 320000
NUM_HE = 10000
XD = 128
HD = 128
GD = 128
PD = HD + GD


def _init(key, shape, scale):
    return jax.random.normal(key, shape, dtype=jnp.float32) * scale


def setup_inputs(seed: int = 0):
    key = jax.random.key(seed)
    ks = jax.random.split(key, 20)
    inp = {}
    inp["features"] = jax.random.normal(ks[0], (N, XD), dtype=jnp.float32)
    inp["treatments"] = jax.random.randint(ks[1], (N,), 0, 2).astype(jnp.float32)
    inp["hyperedge_index"] = jax.random.randint(ks[2], (2, E_INC), 0, NUM_HE, dtype=jnp.int32)
    inp["W_phi"] = _init(ks[3], (XD, HD), 1.0 / np.sqrt(XD))
    inp["b_phi"] = jnp.zeros((HD,), jnp.float32)
    inp["W_hg"] = _init(ks[4], (HD, GD), 1.0 / np.sqrt(HD))
    inp["bias_hg"] = jnp.zeros((GD,), jnp.float32)
    inp["W_t00"] = _init(ks[5], (PD, PD), 1.0 / np.sqrt(PD))
    inp["b_t00"] = jnp.zeros((PD,), jnp.float32)
    inp["W_t10"] = _init(ks[6], (PD, PD), 1.0 / np.sqrt(PD))
    inp["b_t10"] = jnp.zeros((PD,), jnp.float32)
    inp["W_t01"] = _init(ks[7], (PD, 1), 1.0 / np.sqrt(PD))
    inp["b_t01"] = jnp.zeros((1,), jnp.float32)
    inp["W_t11"] = _init(ks[8], (PD, 1), 1.0 / np.sqrt(PD))
    inp["b_t11"] = jnp.zeros((1,), jnp.float32)
    return inp


def hypergraph_conv(x, hyperedge_index, W, bias):
    # PyG HypergraphConv (use_attention=False): out = D^-1 H B^-1 H^T (X W) + bias
    node_idx = hyperedge_index[0]
    edge_idx = hyperedge_index[1]
    xw = x @ W
    ones = jnp.ones((node_idx.shape[0],), jnp.float32)
    D = jax.ops.segment_sum(ones, node_idx, num_segments=N)
    D_inv = jnp.where(D > 0, 1.0 / D, 0.0)
    B = jax.ops.segment_sum(ones, edge_idx, num_segments=NUM_HE)
    B_inv = jnp.where(B > 0, 1.0 / B, 0.0)
    # node -> hyperedge aggregation with norm B^-1 (gather + scatter-add)
    edge_feat = B_inv[:, None] * jax.ops.segment_sum(jnp.take(xw, node_idx, axis=0), edge_idx, num_segments=NUM_HE)
    # hyperedge -> node aggregation with norm D^-1
    out = D_inv[:, None] * jax.ops.segment_sum(jnp.take(edge_feat, edge_idx, axis=0), node_idx, num_segments=N)
    return out + bias


def reference(features, treatments, hyperedge_index, W_phi, b_phi, W_hg, bias_hg, W_t00, b_t00, W_t10, b_t10, W_t01, b_t01, W_t11, b_t11):
    phi_x = jax.nn.relu(features @ W_phi + b_phi)
    phi_x_t = treatments[:, None] * phi_x
    rep_hgnn = hypergraph_conv(phi_x_t, hyperedge_index, W_hg, bias_hg)
    # dropout is identity in eval mode
    rep_post = jnp.concatenate([phi_x, rep_hgnn], axis=1)
    y00 = jax.nn.relu(rep_post @ W_t00 + b_t00)
    y10 = jax.nn.relu(rep_post @ W_t10 + b_t10)
    y0_pred = (y00 @ W_t01 + b_t01).reshape(-1)
    y1_pred = (y10 @ W_t11 + b_t11).reshape(-1)
    return (y1_pred, y0_pred, phi_x)

if __name__ == "__main__":
    import jax
    _d = setup_inputs()
    print(jax.jit(kernel)(*tuple(_d.values())))

</pallas_src>

<mosaic_0001>
#map = affine_map<(d0, d1) -> (0, 0)>
#map1 = affine_map<(d0, d1) -> (0, 0, 0, 0)>
#map2 = affine_map<(d0, d1) -> (0, 0, 0)>
module attributes {stable_mosaic.version = 14 : i64} {
  func.func @sc_pass(%arg0: i32, %arg1: i32, %arg2: memref<10000x128xf32, #tpu.memory_space<hbm>>, %arg3: memref<2x16x80x128xi32, #tpu.memory_space<hbm>>, %arg4: memref<2x16x80x128xi32, #tpu.memory_space<hbm>>, %arg5: memref<632x128xf32, #tpu.memory_space<hbm>>, %arg6: memref<2x10112x128xf32, #tpu.memory_space<hbm>>, %arg7: memref<10112x128xf32, #tpu.memory_space<vmem_shared>>, %arg8: memref<2x2x128xi32, #tpu.memory_space<vmem>>, %arg9: memref<2x2x128xi32, #tpu.memory_space<vmem>>, %arg10: memref<2x128x128xf32, #tpu.memory_space<vmem>>, %arg11: memref<!tpu.dma_semaphore, #tpu.memory_space<semaphore_mem>>, %arg12: memref<!tpu.dma_semaphore, #tpu.memory_space<semaphore_mem>>, %arg13: memref<!tpu.dma_semaphore, #tpu.memory_space<semaphore_mem>>, %arg14: memref<!tpu.dma_semaphore, #tpu.memory_space<semaphore_mem>>, %arg15: memref<!tpu.dma_semaphore, #tpu.memory_space<semaphore_mem>>) attributes {dimension_semantics = [#tpu.dimension_semantics<core_parallel>, #tpu.dimension_semantics<subcore_parallel>], iteration_bounds = array<i64: 2, 16>, scalar_prefetch = 0 : i64, scratch_operands = 9 : i64, tpu.core_type = #tpu.core_type<sc_vector_subcore>, window_params = [{transform_indices = #map}, {transform_indices = #map1}, {transform_indices = #map1}, {transform_indices = #map}, {transform_indices = #map2}]} {
    %mul3A = arith.constant 632 : i32
    %mul3A_0 = arith.muli %arg1, %mul3A : i32
    "tpu.region"() ({
      %run_scoped3A_12 = tpu.sem_alloc : memref<!tpu.dma_semaphore, #tpu.memory_space<semaphore_mem>>
      %dma_start3A = arith.constant 0 : i32
      %dma_start3A_13 = tpu.memref_slice %arg7[%mul3A_0, %dma_start3A] : memref<10112x128xf32, #tpu.memory_space<vmem_shared>> -> memref<632x128xf32, #tpu.memory_space<vmem_shared>>
      tpu.enqueue_dma source(%arg5 : memref<632x128xf32, #tpu.memory_space<hbm>>) target(%dma_start3A_13 : memref<632x128xf32, #tpu.memory_space<vmem_shared>>) target_semaphore(%run_scoped3A_12 : memref<!tpu.dma_semaphore, #tpu.memory_space<semaphore_mem>>)
      %dma_wait3A = arith.constant 0 : i32
      %dma_wait3A_14 = tpu.memref_slice %arg7[%mul3A_0, %dma_wait3A] : memref<10112x128xf32, #tpu.memory_space<vmem_shared>> -> memref<632x128xf32, #tpu.memory_space<vmem_shared>>
      tpu.wait_dma2 semaphore(%run_scoped3A_12 : memref<!tpu.dma_semaphore, #tpu.memory_space<semaphore_mem>>) src(%arg5 : memref<632x128xf32, #tpu.memory_space<hbm>>) dst(%dma_wait3A_14 : memref<632x128xf32, #tpu.memory_space<vmem_shared>>)
      tpu.yield
    }) : () -> ()
    %run_scoped3A = arith.constant 0 : i32
    "tpu.region"() ({
      %run_scoped3A_12 = tpu.sem_alloc : memref<!tpu.dma_semaphore, #tpu.memory_space<semaphore_mem>>
      %dma_start3A = arith.constant 0 : i32
      %dma_start3A_13 = arith.constant 0 : i32
      %dma_start3A_14 = tpu.memref_slice %arg8[%run_scoped3A, %dma_start3A, %dma_start3A_13] : memref<2x2x128xi32, #tpu.memory_space<vmem>> -> memref<1x2x128xi32, #tpu.memory_space<vmem>>
      %dma_start3A_15 = tpu.memref_squeeze %dma_start3A_14 : memref<1x2x128xi32, #tpu.memory_space<vmem>> -> memref<2x128xi32, #tpu.memory_space<vmem>>
      %dma_start3A_16 = arith.constant 0 : i32
      %dma_start3A_17 = arith.constant 0 : i32
      %dma_start3A_18 = tpu.memref_slice %arg3[%arg0, %arg1, %dma_start3A_16, %dma_start3A_17] : memref<2x16x80x128xi32, #tpu.memory_space<hbm>> -> memref<1x1x2x128xi32, #tpu.memory_space<hbm>>
      %dma_start3A_19 = tpu.memref_squeeze %dma_start3A_18 : memref<1x1x2x128xi32, #tpu.memory_space<hbm>> -> memref<2x128xi32, #tpu.memory_space<hbm>>
      %dma_start3A_20 = arith.constant 0 : i32
      %dma_start3A_21 = arith.constant 0 : i32
      %dma_start3A_22 = tpu.memref_slice %arg8[%run_scoped3A, %dma_start3A_20, %dma_start3A_21] : memref<2x2x128xi32, #tpu.memory_space<vmem>> -> memref<1x2x128xi32, #tpu.memory_space<vmem>>
      %dma_start3A_23 = tpu.memref_squeeze %dma_start3A_22 : memref<1x2x128xi32, #tpu.memory_space<vmem>> -> memref<2x128xi32, #tpu.memory_space<vmem>>
      %dma_start3A_24 = arith.constant 0 : i32
      %dma_start3A_25 = arith.constant 0 : i32
      %dma_start3A_26 = tpu.memref_slice %arg3[%arg0, %arg1, %dma_start3A_24, %dma_start3A_25] : memref<2x16x80x128xi32, #tpu.memory_space<hbm>> -> memref<1x1x2x128xi32, #tpu.memory_space<hbm>>
      %dma_start3A_27 = tpu.memref_squeeze %dma_start3A_26 : memref<1x1x2x128xi32, #tpu.memory_space<hbm>> -> memref<2x128xi32, #tpu.memory_space<hbm>>
      tpu.enqueue_dma source(%dma_start3A_27 : memref<2x128xi32, #tpu.memory_space<hbm>>) target(%dma_start3A_23 : memref<2x128xi32, #tpu.memory_space<vmem>>) target_semaphore(%run_scoped3A_12 : memref<!tpu.dma_semaphore, #tpu.memory_space<semaphore_mem>>)
      %dma_wait3A = arith.constant 0 : i32
      %dma_wait3A_28 = arith.constant 0 : i32
      %dma_wait3A_29 = tpu.memref_slice %arg8[%run_scoped3A, %dma_wait3A, %dma_wait3A_28] : memref<2x2x128xi32, #tpu.memory_space<vmem>> -> memref<1x2x128xi32, #tpu.memory_space<vmem>>
      %dma_wait3A_30 = tpu.memref_squeeze %dma_wait3A_29 : memref<1x2x128xi32, #tpu.memory_space<vmem>> -> memref<2x128xi32, #tpu.memory_space<vmem>>
      %dma_wait3A_31 = arith.constant 0 : i32
      %dma_wait3A_32 = arith.constant 0 : i32
      %dma_wait3A_33 = tpu.memref_slice %arg3[%arg0, %arg1, %dma_wait3A_31, %dma_wait3A_32] : memref<2x16x80x128xi32, #tpu.memory_space<hbm>> -> memref<1x1x2x128xi32, #tpu.memory_space<hbm>>
      %dma_wait3A_34 = tpu.memref_squeeze %dma_wait3A_33 : memref<1x1x2x128xi32, #tpu.memory_space<hbm>> -> memref<2x128xi32, #tpu.memory_space<hbm>>
      %dma_wait3A_35 = arith.constant 0 : i32
      %dma_wait3A_36 = arith.constant 0 : i32
      %dma_wait3A_37 = tpu.memref_slice %arg8[%run_scoped3A, %dma_wait3A_35, %dma_wait3A_36] : memref<2x2x128xi32, #tpu.memory_space<vmem>> -> memref<1x2x128xi32, #tpu.memory_space<vmem>>
      %dma_wait3A_38 = tpu.memref_squeeze %dma_wait3A_37 : memref<1x2x128xi32, #tpu.memory_space<vmem>> -> memref<2x128xi32, #tpu.memory_space<vmem>>
      %dma_wait3A_39 = arith.constant 0 : i32
      %dma_wait3A_40 = arith.constant 0 : i32
      %dma_wait3A_41 = tpu.memref_slice %arg3[%arg0, %arg1, %dma_wait3A_39, %dma_wait3A_40] : memref<2x16x80x128xi32, #tpu.memory_space<hbm>> -> memref<1x1x2x128xi32, #tpu.memory_space<hbm>>
      %dma_wait3A_42 = tpu.memref_squeeze %dma_wait3A_41 : memref<1x1x2x128xi32, #tpu.memory_space<hbm>> -> memref<2x128xi32, #tpu.memory_space<hbm>>
      tpu.wait_dma2 semaphore(%run_scoped3A_12 : memref<!tpu.dma_semaphore, #tpu.memory_space<semaphore_mem>>) src(%dma_wait3A_42 : memref<2x128xi32, #tpu.memory_space<hbm>>) dst(%dma_wait3A_38 : memref<2x128xi32, #tpu.memory_space<vmem>>)
      tpu.yield
    }) : () -> ()
    %run_scoped3A_1 = arith.constant 0 : i32
    "tpu.region"() ({
      %run_scoped3A_12 = tpu.sem_alloc : memref<!tpu.dma_semaphore, #tpu.memory_space<semaphore_mem>>
      %dma_start3A = arith.constant 0 : i32
      %dma_start3A_13 = arith.constant 0 : i32
      %dma_start3A_14 = tpu.memref_slice %arg9[%run_scoped3A_1, %dma_start3A, %dma_start3A_13] : memref<2x2x128xi32, #tpu.memory_space<vmem>> -> memref<1x2x128xi32, #tpu.memory_space<vmem>>
      %dma_start3A_15 = tpu.memref_squeeze %dma_start3A_14 : memref<1x2x128xi32, #tpu.memory_space<vmem>> -> memref<2x128xi32, #tpu.memory_space<vmem>>
      %dma_start3A_16 = arith.constant 0 : i32
      %dma_start3A_17 = arith.constant 0 : i32
      %dma_start3A_18 = tpu.memref_slice %arg4[%arg0, %arg1, %dma_start3A_16, %dma_start3A_17] : memref<2x16x80x128xi32, #tpu.memory_space<hbm>> -> memref<1x1x2x128xi32, #tpu.memory_space<hbm>>
      %dma_start3A_19 = tpu.memref_squeeze %dma_start3A_18 : memref<1x1x2x128xi32, #tpu.memory_space<hbm>> -> memref<2x128xi32, #tpu.memory_space<hbm>>
      %dma_start3A_20 = arith.constant 0 : i32
      %dma_start3A_21 = arith.constant 0 : i32
      %dma_start3A_22 = tpu.memref_slice %arg9[%run_scoped3A_1, %dma_start3A_20, %dma_start3A_21] : memref<2x2x128xi32, #tpu.memory_space<vmem>> -> memref<1x2x128xi32, #tpu.memory_space<vmem>>
      %dma_start3A_23 = tpu.memref_squeeze %dma_start3A_22 : memref<1x2x128xi32, #tpu.memory_space<vmem>> -> memref<2x128xi32, #tpu.memory_space<vmem>>
      %dma_start3A_24 = arith.constant 0 : i32
      %dma_start3A_25 = arith.constant 0 : i32
      %dma_start3A_26 = tpu.memref_slice %arg4[%arg0, %arg1, %dma_start3A_24, %dma_start3A_25] : memref<2x16x80x128xi32, #tpu.memory_space<hbm>> -> memref<1x1x2x128xi32, #tpu.memory_space<hbm>>
      %dma_start3A_27 = tpu.memref_squeeze %dma_start3A_26 : memref<1x1x2x128xi32, #tpu.memory_space<hbm>> -> memref<2x128xi32, #tpu.memory_space<hbm>>
      tpu.enqueue_dma source(%dma_start3A_27 : memref<2x128xi32, #tpu.memory_space<hbm>>) target(%dma_start3A_23 : memref<2x128xi32, #tpu.memory_space<vmem>>) target_semaphore(%run_scoped3A_12 : memref<!tpu.dma_semaphore, #tpu.memory_space<semaphore_mem>>)
      %dma_wait3A = arith.constant 0 : i32
      %dma_wait3A_28 = arith.constant 0 : i32
      %dma_wait3A_29 = tpu.memref_slice %arg9[%run_scoped3A_1, %dma_wait3A, %dma_wait3A_28] : memref<2x2x128xi32, #tpu.memory_space<vmem>> -> memref<1x2x128xi32, #tpu.memory_space<vmem>>
      %dma_wait3A_30 = tpu.memref_squeeze %dma_wait3A_29 : memref<1x2x128xi32, #tpu.memory_space<vmem>> -> memref<2x128xi32, #tpu.memory_space<vmem>>
      %dma_wait3A_31 = arith.constant 0 : i32
      %dma_wait3A_32 = arith.constant 0 : i32
      %dma_wait3A_33 = tpu.memref_slice %arg4[%arg0, %arg1, %dma_wait3A_31, %dma_wait3A_32] : memref<2x16x80x128xi32, #tpu.memory_space<hbm>> -> memref<1x1x2x128xi32, #tpu.memory_space<hbm>>
      %dma_wait3A_34 = tpu.memref_squeeze %dma_wait3A_33 : memref<1x1x2x128xi32, #tpu.memory_space<hbm>> -> memref<2x128xi32, #tpu.memory_space<hbm>>
      %dma_wait3A_35 = arith.constant 0 : i32
      %dma_wait3A_36 = arith.constant 0 : i32
      %dma_wait3A_37 = tpu.memref_slice %arg9[%run_scoped3A_1, %dma_wait3A_35, %dma_wait3A_36] : memref<2x2x128xi32, #tpu.memory_space<vmem>> -> memref<1x2x128xi32, #tpu.memory_space<vmem>>
      %dma_wait3A_38 = tpu.memref_squeeze %dma_wait3A_37 : memref<1x2x128xi32, #tpu.memory_space<vmem>> -> memref<2x128xi32, #tpu.memory_space<vmem>>
      %dma_wait3A_39 = arith.constant 0 : i32
      %dma_wait3A_40 = arith.constant 0 : i32
      %dma_wait3A_41 = tpu.memref_slice %arg4[%arg0, %arg1, %dma_wait3A_39, %dma_wait3A_40] : memref<2x16x80x128xi32, #tpu.memory_space<hbm>> -> memref<1x1x2x128xi32, #tpu.memory_space<hbm>>
      %dma_wait3A_42 = tpu.memref_squeeze %dma_wait3A_41 : memref<1x1x2x128xi32, #tpu.memory_space<hbm>> -> memref<2x128xi32, #tpu.memory_space<hbm>>
      tpu.wait_dma2 semaphore(%run_scoped3A_12 : memref<!tpu.dma_semaphore, #tpu.memory_space<semaphore_mem>>) src(%dma_wait3A_42 : memref<2x128xi32, #tpu.memory_space<hbm>>) dst(%dma_wait3A_38 : memref<2x128xi32, #tpu.memory_space<vmem>>)
      tpu.yield
    }) : () -> ()
    %barrier3A = arith.constant 0 : index
    tpu.barrier barrier_id(%barrier3A)
    %scan3A = arith.constant 0 : i32
    %scan3A_2 = arith.constant 0 : i32
    %scan3A_3 = arith.constant 40 : i32
    %scan3A_4 = arith.addi %scan3A_2, %scan3A_3 : i32
    %scan3A_5 = arith.constant 1 : i32
    scf.for %scan3A_12 = %scan3A_2 to %scan3A_4 step %scan3A_5  : i32 {
      %rem3A = arith.constant 2 : i32
      %rem3A_13 = arith.remsi %scan3A_12, %rem3A : i32
      %sub3A = arith.constant 1 : i32
      %sub3A_14 = arith.subi %sub3A, %rem3A_13 : i32
      %add3A = arith.constant 1 : i32
      %add3A_15 = arith.addi %scan3A_12, %add3A : i32
      %min3A = arith.constant 39 : i32
      %min3A_16 = arith.minsi %add3A_15, %min3A : i32
      %dma_start3A = arith.constant 0 : i32
      %dma_start3A_17 = arith.constant 0 : i32
      %dma_start3A_18 = arith.constant 0 : i32
      %dma_start3A_19 = arith.constant 0 : i32
      %dma_start3A_20 = tpu.memref_slice %arg10[%dma_start3A_17, %dma_start3A_18, %dma_start3A_19] : memref<2x128x128xf32, #tpu.memory_space<vmem>> -> memref<1x128x128xf32, #tpu.memory_space<vmem>>
      %dma_start3A_21 = tpu.memref_squeeze %dma_start3A_20 : memref<1x128x128xf32, #tpu.memory_space<vmem>> -> memref<128x128xf32, #tpu.memory_space<vmem>>
      %dma_start3A_22 = arith.constant 0 : i32
      %dma_start3A_23 = tpu.memref_slice %arg8[%rem3A_13, %dma_start3A, %dma_start3A_22] : memref<2x2x128xi32, #tpu.memory_space<vmem>> -> memref<1x1x128xi32, #tpu.memory_space<vmem>>
      %dma_start3A_24 = tpu.memref_squeeze %dma_start3A_23 : memref<1x1x128xi32, #tpu.memory_space<vmem>> -> memref<128xi32, #tpu.memory_space<vmem>>
      %dma_start3A_25 = arith.constant 0 : i32
      %dma_start3A_26 = arith.constant 0 : i32
      %dma_start3A_27 = tpu.memref_slice %arg2[%dma_start3A_25, %dma_start3A_26] : memref<10000x128xf32, #tpu.memory_space<hbm>> -> memref<10000x128xf32, #tpu.memory_space<hbm>>
      tpu.enqueue_indirect_dma source(%dma_start3A_27 : memref<10000x128xf32, #tpu.memory_space<hbm>>) target(%dma_start3A_21 : memref<128x128xf32, #tpu.memory_space<vmem>>) offsets(%dma_start3A_24 : memref<128xi32, #tpu.memory_space<vmem>>) semaphore(%arg11 : memref<!tpu.dma_semaphore, #tpu.memory_space<semaphore_mem>>)
      %dma_start3A_28 = arith.constant 1 : i32
      %dma_start3A_29 = arith.constant 1 : i32
      %dma_start3A_30 = arith.constant 0 : i32
      %dma_start3A_31 = arith.constant 0 : i32
      %dma_start3A_32 = tpu.memref_slice %arg10[%dma_start3A_29, %dma_start3A_30, %dma_start3A_31] : memref<2x128x128xf32, #tpu.memory_space<vmem>> -> memref<1x128x128xf32, #tpu.memory_space<vmem>>
      %dma_start3A_33 = tpu.memref_squeeze %dma_start3A_32 : memref<1x128x128xf32, #tpu.memory_space<vmem>> -> memref<128x128xf32, #tpu.memory_space<vmem>>
      %dma_start3A_34 = arith.constant 0 : i32
      %dma_start3A_35 = tpu.memref_slice %arg8[%rem3A_13, %dma_start3A_28, %dma_start3A_34] : memref<2x2x128xi32, #tpu.memory_space<vmem>> -> memref<1x1x128xi32, #tpu.memory_space<vmem>>
      %dma_start3A_36 = tpu.memref_squeeze %dma_start3A_35 : memref<1x1x128xi32, #tpu.memory_space<vmem>> -> memref<128xi32, #tpu.memory_space<vmem>>
      %dma_start3A_37 = arith.constant 0 : i32
      %dma_start3A_38 = arith.constant 0 : i32
      %dma_start3A_39 = tpu.memref_slice %arg2[%dma_start3A_37, %dma_start3A_38] : memref<10000x128xf32, #tpu.memory_space<hbm>> -> memref<10000x128xf32, #tpu.memory_space<hbm>>
      tpu.enqueue_indirect_dma source(%dma_start3A_39 : memref<10000x128xf32, #tpu.memory_space<hbm>>) target(%dma_start3A_33 : memref<128x128xf32, #tpu.memory_space<vmem>>) offsets(%dma_start3A_36 : memref<128xi32, #tpu.memory_space<vmem>>) semaphore(%arg12 : memref<!tpu.dma_semaphore, #tpu.memory_space<semaphore_mem>>)
      %mul3A_40 = arith.constant 2 : i32
      %mul3A_41 = arith.muli %min3A_16, %mul3A_40 : i32
      %dma_start3A_42 = arith.constant 0 : i32
      %dma_start3A_43 = arith.constant 0 : i32
      %dma_start3A_44 = tpu.memref_slice %arg8[%sub3A_14, %dma_start3A_42, %dma_start3A_43] : memref<2x2x128xi32, #tpu.memory_space<vmem>> -> memref<1x2x128xi32, #tpu.memory_space<vmem>>
      %dma_start3A_45 = tpu.memref_squeeze %dma_start3A_44 : memref<1x2x128xi32, #tpu.memory_space<vmem>> -> memref<2x128xi32, #tpu.memory_space<vmem>>
      %dma_start3A_46 = arith.constant 0 : i32
      %dma_start3A_47 = tpu.memref_slice %arg3[%arg0, %arg1, %mul3A_41, %dma_start3A_46] : memref<2x16x80x128xi32, #tpu.memory_space<hbm>> -> memref<1x1x2x128xi32, #tpu.memory_space<hbm>>
      %dma_start3A_48 = tpu.memref_squeeze %dma_start3A_47 : memref<1x1x2x128xi32, #tpu.memory_space<hbm>> -> memref<2x128xi32, #tpu.memory_space<hbm>>
      %dma_start3A_49 = arith.constant 0 : i32
      %dma_start3A_50 = arith.constant 0 : i32
      %dma_start3A_51 = tpu.memref_slice %arg8[%sub3A_14, %dma_start3A_49, %dma_start3A_50] : memref<2x2x128xi32, #tpu.memory_space<vmem>> -> memref<1x2x128xi32, #tpu.memory_space<vmem>>
      %dma_start3A_52 = tpu.memref_squeeze %dma_start3A_51 : memref<1x2x128xi32, #tpu.memory_space<vmem>> -> memref<2x128xi32, #tpu.memory_space<vmem>>
      %dma_start3A_53 = arith.constant 0 : i32
      %dma_start3A_54 = tpu.memref_slice %arg3[%arg0, %arg1, %mul3A_41, %dma_start3A_53] : memref<2x16x80x128xi32, #tpu.memory_space<hbm>> -> memref<1x1x2x128xi32, #tpu.memory_space<hbm>>
      %dma_start3A_55 = tpu.memref_squeeze %dma_start3A_54 : memref<1x1x2x128xi32, #tpu.memory_space<hbm>> -> memref<2x128xi32, #tpu.memory_space<hbm>>
      tpu.enqueue_dma source(%dma_start3A_55 : memref<2x128xi32, #tpu.memory_space<hbm>>) target(%dma_start3A_52 : memref<2x128xi32, #tpu.memory_space<vmem>>) target_semaphore(%arg15 : memref<!tpu.dma_semaphore, #tpu.memory_space<semaphore_mem>>)
      %mul3A_56 = arith.constant 2 : i32
      %mul3A_57 = arith.muli %min3A_16, %mul3A_56 : i32
      %dma_start3A_58 = arith.constant 0 : i32
      %dma_start3A_59 = arith.constant 0 : i32
      %dma_start3A_60 = tpu.memref_slice %arg9[%sub3A_14, %dma_start3A_58, %dma_start3A_59] : memref<2x2x128xi32, #tpu.memory_space<vmem>> -> memref<1x2x128xi32, #tpu.memory_space<vmem>>
      %dma_start3A_61 = tpu.memref_squeeze %dma_start3A_60 : memref<1x2x128xi32, #tpu.memory_space<vmem>> -> memref<2x128xi32, #tpu.memory_space<vmem>>
      %dma_start3A_62 = arith.constant 0 : i32
      %dma_start3A_63 = tpu.memref_slice %arg4[%arg0, %arg1, %mul3A_57, %dma_start3A_62] : memref<2x16x80x128xi32, #tpu.memory_space<hbm>> -> memref<1x1x2x128xi32, #tpu.memory_space<hbm>>
      %dma_start3A_64 = tpu.memref_squeeze %dma_start3A_63 : memref<1x1x2x128xi32, #tpu.memory_space<hbm>> -> memref<2x128xi32, #tpu.memory_space<hbm>>
      %dma_start3A_65 = arith.constant 0 : i32
      %dma_start3A_66 = arith.constant 0 : i32
      %dma_start3A_67 = tpu.memref_slice %arg9[%sub3A_14, %dma_start3A_65, %dma_start3A_66] : memref<2x2x128xi32, #tpu.memory_space<vmem>> -> memref<1x2x128xi32, #tpu.memory_space<vmem>>
      %dma_start3A_68 = tpu.memref_squeeze %dma_start3A_67 : memref<1x2x128xi32, #tpu.memory_space<vmem>> -> memref<2x128xi32, #tpu.memory_space<vmem>>
      %dma_start3A_69 = arith.constant 0 : i32
      %dma_start3A_70 = tpu.memref_slice %arg4[%arg0, %arg1, %mul3A_57, %dma_start3A_69] : memref<2x16x80x128xi32, #tpu.memory_space<hbm>> -> memref<1x1x2x128xi32, #tpu.memory_space<hbm>>
      %dma_start3A_71 = tpu.memref_squeeze %dma_start3A_70 : memref<1x1x2x128xi32, #tpu.memory_space<hbm>> -> memref<2x128xi32, #tpu.memory_space<hbm>>
      tpu.enqueue_dma source(%dma_start3A_71 : memref<2x128xi32, #tpu.memory_space<hbm>>) target(%dma_start3A_68 : memref<2x128xi32, #tpu.memory_space<vmem>>) target_semaphore(%arg15 : memref<!tpu.dma_semaphore, #tpu.memory_space<semaphore_mem>>)
      %dma_wait3A = arith.constant 0 : i32
      %dma_wait3A_72 = arith.constant 0 : i32
      %dma_wait3A_73 = arith.constant 0 : i32
      %dma_wait3A_74 = arith.constant 0 : i32
      %dma_wait3A_75 = tpu.memref_slice %arg10[%dma_wait3A_72, %dma_wait3A_73, %dma_wait3A_74] : memref<2x128x128xf32, #tpu.memory_space<vmem>> -> memref<1x128x128xf32, #tpu.memory_space<vmem>>
      %dma_wait3A_76 = tpu.memref_squeeze %dma_wait3A_75 : memref<1x128x128xf32, #tpu.memory_space<vmem>> -> memref<128x128xf32, #tpu.memory_space<vmem>>
      %dma_wait3A_77 = arith.constant 0 : i32
      %dma_wait3A_78 = tpu.memref_slice %arg8[%rem3A_13, %dma_wait3A, %dma_wait3A_77] : memref<2x2x128xi32, #tpu.memory_space<vmem>> -> memref<1x1x128xi32, #tpu.memory_space<vmem>>
      %dma_wait3A_79 = tpu.memref_squeeze %dma_wait3A_78 : memref<1x1x128xi32, #tpu.memory_space<vmem>> -> memref<128xi32, #tpu.memory_space<vmem>>
      %dma_wait3A_80 = arith.constant 0 : i32
      %dma_wait3A_81 = arith.constant 0 : i32
      %dma_wait3A_82 = tpu.memref_slice %arg2[%dma_wait3A_80, %dma_wait3A_81] : memref<10000x128xf32, #tpu.memory_space<hbm>> -> memref<10000x128xf32, #tpu.memory_space<hbm>>
      tpu.wait_indirect_dma semaphore(%arg11 : memref<!tpu.dma_semaphore, #tpu.memory_space<semaphore_mem>>) src(%dma_wait3A_82 : memref<10000x128xf32, #tpu.memory_space<hbm>>) dst(%dma_wait3A_76 : memref<128x128xf32, #tpu.memory_space<vmem>>)
      %dma_start3A_83 = arith.constant 0 : i32
      %dma_start3A_84 = arith.constant 0 : i32
      %dma_start3A_85 = arith.constant 0 : i32
      %dma_start3A_86 = arith.constant 0 : i32
      %dma_start3A_87 = tpu.memref_slice %arg10[%dma_start3A_83, %dma_start3A_85, %dma_start3A_86] : memref<2x128x128xf32, #tpu.memory_space<vmem>> -> memref<1x128x128xf32, #tpu.memory_space<vmem>>
      %dma_start3A_88 = tpu.memref_squeeze %dma_start3A_87 : memref<1x128x128xf32, #tpu.memory_space<vmem>> -> memref<128x128xf32, #tpu.memory_space<vmem>>
      %dma_start3A_89 = arith.constant 0 : i32
      %dma_start3A_90 = tpu.memref_slice %arg9[%rem3A_13, %dma_start3A_84, %dma_start3A_89] : memref<2x2x128xi32, #tpu.memory_space<vmem>> -> memref<1x1x128xi32, #tpu.memory_space<vmem>>
      %dma_start3A_91 = tpu.memref_squeeze %dma_start3A_90 : memref<1x1x128xi32, #tpu.memory_space<vmem>> -> memref<128xi32, #tpu.memory_space<vmem>>
      %dma_start3A_92 = arith.constant 0 : i32
      %dma_start3A_93 = arith.constant 0 : i32
      %dma_start3A_94 = tpu.memref_slice %arg7[%dma_start3A_92, %dma_start3A_93] : memref<10112x128xf32, #tpu.memory_space<vmem_shared>> -> memref<10112x128xf32, #tpu.memory_space<vmem_shared>>
      tpu.enqueue_indirect_dma source(%dma_start3A_88 : memref<128x128xf32, #tpu.memory_space<vmem>>) target(%dma_start3A_94 : memref<10112x128xf32, #tpu.memory_space<vmem_shared>>) offsets(%dma_start3A_91 : memref<128xi32, #tpu.memory_space<vmem>>) semaphore(%arg13 : memref<!tpu.dma_semaphore, #tpu.memory_space<semaphore_mem>>) {add = true}
      %dma_wait3A_95 = arith.constant 1 : i32
      %dma_wait3A_96 = arith.constant 1 : i32
      %dma_wait3A_97 = arith.constant 0 : i32
      %dma_wait3A_98 = arith.constant 0 : i32
      %dma_wait3A_99 = tpu.memref_slice %arg10[%dma_wait3A_96, %dma_wait3A_97, %dma_wait3A_98] : memref<2x128x128xf32, #tpu.memory_space<vmem>> -> memref<1x128x128xf32, #tpu.memory_space<vmem>>
      %dma_wait3A_100 = tpu.memref_squeeze %dma_wait3A_99 : memref<1x128x128xf32, #tpu.memory_space<vmem>> -> memref<128x128xf32, #tpu.memory_space<vmem>>
      %dma_wait3A_101 = arith.constant 0 : i32
      %dma_wait3A_102 = tpu.memref_slice %arg8[%rem3A_13, %dma_wait3A_95, %dma_wait3A_101] : memref<2x2x128xi32, #tpu.memory_space<vmem>> -> memref<1x1x128xi32, #tpu.memory_space<vmem>>
      %dma_wait3A_103 = tpu.memref_squeeze %dma_wait3A_102 : memref<1x1x128xi32, #tpu.memory_space<vmem>> -> memref<128xi32, #tpu.memory_space<vmem>>
      %dma_wait3A_104 = arith.constant 0 : i32
      %dma_wait3A_105 = arith.constant 0 : i32
      %dma_wait3A_106 = tpu.memref_slice %arg2[%dma_wait3A_104, %dma_wait3A_105] : memref<10000x128xf32, #tpu.memory_space<hbm>> -> memref<10000x128xf32, #tpu.memory_space<hbm>>
      tpu.wait_indirect_dma semaphore(%arg12 : memref<!tpu.dma_semaphore, #tpu.memory_space<semaphore_mem>>) src(%dma_wait3A_106 : memref<10000x128xf32, #tpu.memory_space<hbm>>) dst(%dma_wait3A_100 : memref<128x128xf32, #tpu.memory_space<vmem>>)
      %dma_start3A_107 = arith.constant 1 : i32
      %dma_start3A_108 = arith.constant 1 : i32
      %dma_start3A_109 = arith.constant 0 : i32
      %dma_start3A_110 = arith.constant 0 : i32
      %dma_start3A_111 = tpu.memref_slice %arg10[%dma_start3A_107, %dma_start3A_109, %dma_start3A_110] : memref<2x128x128xf32, #tpu.memory_space<vmem>> -> memref<1x128x128xf32, #tpu.memory_space<vmem>>
      %dma_start3A_112 = tpu.memref_squeeze %dma_start3A_111 : memref<1x128x128xf32, #tpu.memory_space<vmem>> -> memref<128x128xf32, #tpu.memory_space<vmem>>
      %dma_start3A_113 = arith.constant 0 : i32
      %dma_start3A_114 = tpu.memref_slice %arg9[%rem3A_13, %dma_start3A_108, %dma_start3A_113] : memref<2x2x128xi32, #tpu.memory_space<vmem>> -> memref<1x1x128xi32, #tpu.memory_space<vmem>>
      %dma_start3A_115 = tpu.memref_squeeze %dma_start3A_114 : memref<1x1x128xi32, #tpu.memory_space<vmem>> -> memref<128xi32, #tpu.memory_space<vmem>>
      %dma_start3A_116 = arith.constant 0 : i32
      %dma_start3A_117 = arith.constant 0 : i32
      %dma_start3A_118 = tpu.memref_slice %arg7[%dma_start3A_116, %dma_start3A_117] : memref<10112x128xf32, #tpu.memory_space<vmem_shared>> -> memref<10112x128xf32, #tpu.memory_space<vmem_shared>>
      tpu.enqueue_indirect_dma source(%dma_start3A_112 : memref<128x128xf32, #tpu.memory_space<vmem>>) target(%dma_start3A_118 : memref<10112x128xf32, #tpu.memory_space<vmem_shared>>) offsets(%dma_start3A_115 : memref<128xi32, #tpu.memory_space<vmem>>) semaphore(%arg14 : memref<!tpu.dma_semaphore, #tpu.memory_space<semaphore_mem>>) {add = true}
      %dma_wait3A_119 = arith.constant 0 : i32
      %dma_wait3A_120 = arith.constant 0 : i32
      %dma_wait3A_121 = arith.constant 0 : i32
      %dma_wait3A_122 = arith.constant 0 : i32
      %dma_wait3A_123 = tpu.memref_slice %arg10[%dma_wait3A_119, %dma_wait3A_121, %dma_wait3A_122] : memref<2x128x128xf32, #tpu.memory_space<vmem>> -> memref<1x128x128xf32, #tpu.memory_space<vmem>>
      %dma_wait3A_124 = tpu.memref_squeeze %dma_wait3A_123 : memref<1x128x128xf32, #tpu.memory_space<vmem>> -> memref<128x128xf32, #tpu.memory_space<vmem>>
      %dma_wait3A_125 = arith.constant 0 : i32
      %dma_wait3A_126 = tpu.memref_slice %arg9[%rem3A_13, %dma_wait3A_120, %dma_wait3A_125] : memref<2x2x128xi32, #tpu.memory_space<vmem>> -> memref<1x1x128xi32, #tpu.memory_space<vmem>>
      %dma_wait3A_127 = tpu.memref_squeeze %dma_wait3A_126 : memref<1x1x128xi32, #tpu.memory_space<vmem>> -> memref<128xi32, #tpu.memory_space<vmem>>
      %dma_wait3A_128 = arith.constant 0 : i32
      %dma_wait3A_129 = arith.constant 0 : i32
      %dma_wait3A_130 = tpu.memref_slice %arg7[%dma_wait3A_128, %dma_wait3A_129] : memref<10112x128xf32, #tpu.memory_space<vmem_shared>> -> memref<10112x128xf32, #tpu.memory_space<vmem_shared>>
      tpu.wait_indirect_dma semaphore(%arg13 : memref<!tpu.dma_semaphore, #tpu.memory_space<semaphore_mem>>) src(%dma_wait3A_124 : memref<128x128xf32, #tpu.memory_space<vmem>>) dst(%dma_wait3A_130 : memref<10112x128xf32, #tpu.memory_space<vmem_shared>>)
      %dma_wait3A_131 = arith.constant 1 : i32
      %dma_wait3A_132 = arith.constant 1 : i32
      %dma_wait3A_133 = arith.constant 0 : i32
      %dma_wait3A_134 = arith.constant 0 : i32
      %dma_wait3A_135 = tpu.memref_slice %arg10[%dma_wait3A_131, %dma_wait3A_133, %dma_wait3A_134] : memref<2x128x128xf32, #tpu.memory_space<vmem>> -> memref<1x128x128xf32, #tpu.memory_space<vmem>>
      %dma_wait3A_136 = tpu.memref_squeeze %dma_wait3A_135 : memref<1x128x128xf32, #tpu.memory_space<vmem>> -> memref<128x128xf32, #tpu.memory_space<vmem>>
      %dma_wait3A_137 = arith.constant 0 : i32
      %dma_wait3A_138 = tpu.memref_slice %arg9[%rem3A_13, %dma_wait3A_132, %dma_wait3A_137] : memref<2x2x128xi32, #tpu.memory_space<vmem>> -> memref<1x1x128xi32, #tpu.memory_space<vmem>>
      %dma_wait3A_139 = tpu.memref_squeeze %dma_wait3A_138 : memref<1x1x128xi32, #tpu.memory_space<vmem>> -> memref<128xi32, #tpu.memory_space<vmem>>
      %dma_wait3A_140 = arith.constant 0 : i32
      %dma_wait3A_141 = arith.constant 0 : i32
      %dma_wait3A_142 = tpu.memref_slice %arg7[%dma_wait3A_140, %dma_wait3A_141] : memref<10112x128xf32, #tpu.memory_space<vmem_shared>> -> memref<10112x128xf32, #tpu.memory_space<vmem_shared>>
      tpu.wait_indirect_dma semaphore(%arg14 : memref<!tpu.dma_semaphore, #tpu.memory_space<semaphore_mem>>) src(%dma_wait3A_136 : memref<128x128xf32, #tpu.memory_space<vmem>>) dst(%dma_wait3A_142 : memref<10112x128xf32, #tpu.memory_space<vmem_shared>>)
      %dma_wait3A_143 = arith.constant 0 : i32
      %dma_wait3A_144 = arith.constant 0 : i32
      %dma_wait3A_145 = tpu.memref_slice %arg8[%sub3A_14, %dma_wait3A_143, %dma_wait3A_144] : memref<2x2x128xi32, #tpu.memory_space<vmem>> -> memref<1x2x128xi32, #tpu.memory_space<vmem>>
      %dma_wait3A_146 = tpu.memref_squeeze %dma_wait3A_145 : memref<1x2x128xi32, #tpu.memory_space<vmem>> -> memref<2x128xi32, #tpu.memory_space<vmem>>
      %dma_wait3A_147 = arith.constant 0 : i32
      %dma_wait3A_148 = tpu.memref_slice %arg3[%arg0, %arg1, %mul3A_41, %dma_wait3A_147] : memref<2x16x80x128xi32, #tpu.memory_space<hbm>> -> memref<1x1x2x128xi32, #tpu.memory_space<hbm>>
      %dma_wait3A_149 = tpu.memref_squeeze %dma_wait3A_148 : memref<1x1x2x128xi32, #tpu.memory_space<hbm>> -> memref<2x128xi32, #tpu.memory_space<hbm>>
      %dma_wait3A_150 = arith.constant 0 : i32
      %dma_wait3A_151 = arith.constant 0 : i32
      %dma_wait3A_152 = tpu.memref_slice %arg8[%sub3A_14, %dma_wait3A_150, %dma_wait3A_151] : memref<2x2x128xi32, #tpu.memory_space<vmem>> -> memref<1x2x128xi32, #tpu.memory_space<vmem>>
      %dma_wait3A_153 = tpu.memref_squeeze %dma_wait3A_152 : memref<1x2x128xi32, #tpu.memory_space<vmem>> -> memref<2x128xi32, #tpu.memory_space<vmem>>
      %dma_wait3A_154 = arith.constant 0 : i32
      %dma_wait3A_155 = tpu.memref_slice %arg3[%arg0, %arg1, %mul3A_41, %dma_wait3A_154] : memref<2x16x80x128xi32, #tpu.memory_space<hbm>> -> memref<1x1x2x128xi32, #tpu.memory_space<hbm>>
      %dma_wait3A_156 = tpu.memref_squeeze %dma_wait3A_155 : memref<1x1x2x128xi32, #tpu.memory_space<hbm>> -> memref<2x128xi32, #tpu.memory_space<hbm>>
      tpu.wait_dma2 semaphore(%arg15 : memref<!tpu.dma_semaphore, #tpu.memory_space<semaphore_mem>>) src(%dma_wait3A_156 : memref<2x128xi32, #tpu.memory_space<hbm>>) dst(%dma_wait3A_153 : memref<2x128xi32, #tpu.memory_space<vmem>>)
      %dma_wait3A_157 = arith.constant 0 : i32
      %dma_wait3A_158 = arith.constant 0 : i32
      %dma_wait3A_159 = tpu.memref_slice %arg9[%sub3A_14, %dma_wait3A_157, %dma_wait3A_158] : memref<2x2x128xi32, #tpu.memory_space<vmem>> -> memref<1x2x128xi32, #tpu.memory_space<vmem>>
      %dma_wait3A_160 = tpu.memref_squeeze %dma_wait3A_159 : memref<1x2x128xi32, #tpu.memory_space<vmem>> -> memref<2x128xi32, #tpu.memory_space<vmem>>
      %dma_wait3A_161 = arith.constant 0 : i32
      %dma_wait3A_162 = tpu.memref_slice %arg4[%arg0, %arg1, %mul3A_57, %dma_wait3A_161] : memref<2x16x80x128xi32, #tpu.memory_space<hbm>> -> memref<1x1x2x128xi32, #tpu.memory_space<hbm>>
      %dma_wait3A_163 = tpu.memref_squeeze %dma_wait3A_162 : memref<1x1x2x128xi32, #tpu.memory_space<hbm>> -> memref<2x128xi32, #tpu.memory_space<hbm>>
      %dma_wait3A_164 = arith.constant 0 : i32
      %dma_wait3A_165 = arith.constant 0 : i32
      %dma_wait3A_166 = tpu.memref_slice %arg9[%sub3A_14, %dma_wait3A_164, %dma_wait3A_165] : memref<2x2x128xi32, #tpu.memory_space<vmem>> -> memref<1x2x128xi32, #tpu.memory_space<vmem>>
      %dma_wait3A_167 = tpu.memref_squeeze %dma_wait3A_166 : memref<1x2x128xi32, #tpu.memory_space<vmem>> -> memref<2x128xi32, #tpu.memory_space<vmem>>
      %dma_wait3A_168 = arith.constant 0 : i32
      %dma_wait3A_169 = tpu.memref_slice %arg4[%arg0, %arg1, %mul3A_57, %dma_wait3A_168] : memref<2x16x80x128xi32, #tpu.memory_space<hbm>> -> memref<1x1x2x128xi32, #tpu.memory_space<hbm>>
      %dma_wait3A_170 = tpu.memref_squeeze %dma_wait3A_169 : memref<1x1x2x128xi32, #tpu.memory_space<hbm>> -> memref<2x128xi32, #tpu.memory_space<hbm>>
      tpu.wait_dma2 semaphore(%arg15 : memref<!tpu.dma_semaphore, #tpu.memory_space<semaphore_mem>>) src(%dma_wait3A_170 : memref<2x128xi32, #tpu.memory_space<hbm>>) dst(%dma_wait3A_167 : memref<2x128xi32, #tpu.memory_space<vmem>>)
    }
    %scan3A_6 = arith.constant 40 : i32
    %barrier3A_7 = arith.constant 0 : index
    tpu.barrier barrier_id(%barrier3A_7)
    %mul3A_8 = arith.constant 632 : i32
    %mul3A_9 = arith.muli %arg1, %mul3A_8 : i32
    %mul3A_10 = arith.constant 632 : i32
    %mul3A_11 = arith.muli %arg1, %mul3A_10 : i32
    "tpu.region"() ({
      %run_scoped3A_12 = tpu.sem_alloc : memref<!tpu.dma_semaphore, #tpu.memory_space<semaphore_mem>>
      %dma_start3A = arith.constant 0 : i32
      %dma_start3A_13 = tpu.memref_slice %arg6[%arg0, %mul3A_11, %dma_start3A] : memref<2x10112x128xf32, #tpu.memory_space<hbm>> -> memref<1x632x128xf32, #tpu.memory_space<hbm>>
      %dma_start3A_14 = tpu.memref_squeeze %dma_start3A_13 : memref<1x632x128xf32, #tpu.memory_space<hbm>> -> memref<632x128xf32, #tpu.memory_space<hbm>>
      %dma_start3A_15 = arith.constant 0 : i32
      %dma_start3A_16 = tpu.memref_slice %arg7[%mul3A_9, %dma_start3A_15] : memref<10112x128xf32, #tpu.memory_space<vmem_shared>> -> memref<632x128xf32, #tpu.memory_space<vmem_shared>>
      tpu.enqueue_dma source(%dma_start3A_16 : memref<632x128xf32, #tpu.memory_space<vmem_shared>>) target(%dma_start3A_14 : memref<632x128xf32, #tpu.memory_space<hbm>>) target_semaphore(%run_scoped3A_12 : memref<!tpu.dma_semaphore, #tpu.memory_space<semaphore_mem>>)
      %dma_wait3A = arith.constant 0 : i32
      %dma_wait3A_17 = tpu.memref_slice %arg6[%arg0, %mul3A_11, %dma_wait3A] : memref<2x10112x128xf32, #tpu.memory_space<hbm>> -> memref<1x632x128xf32, #tpu.memory_space<hbm>>
      %dma_wait3A_18 = tpu.memref_squeeze %dma_wait3A_17 : memref<1x632x128xf32, #tpu.memory_space<hbm>> -> memref<632x128xf32, #tpu.memory_space<hbm>>
      %dma_wait3A_19 = arith.constant 0 : i32
      %dma_wait3A_20 = tpu.memref_slice %arg7[%mul3A_9, %dma_wait3A_19] : memref<10112x128xf32, #tpu.memory_space<vmem_shared>> -> memref<632x128xf32, #tpu.memory_space<vmem_shared>>
      tpu.wait_dma2 semaphore(%run_scoped3A_12 : memref<!tpu.dma_semaphore, #tpu.memory_space<semaphore_mem>>) src(%dma_wait3A_20 : memref<632x128xf32, #tpu.memory_space<vmem_shared>>) dst(%dma_wait3A_18 : memref<632x128xf32, #tpu.memory_space<hbm>>)
      tpu.yield
    }) : () -> ()
    return
  }
}

#map = affine_map<(d0, d1) -> (0, 0)>
#map1 = affine_map<(d0, d1) -> (0, 0, 0, 0)>
#map2 = affine_map<(d0, d1) -> (0)>
#map3 = affine_map<(d0, d1) -> (0, 0, 0)>
module attributes {stable_mosaic.version = 14 : i64} {
  func.func @sc_pass(%arg0: i32, %arg1: i32, %arg2: memref<10000x128xf32, #tpu.memory_space<hbm>>, %arg3: memref<2x16x80x128xi32, #tpu.memory_space<hbm>>, %arg4: memref<2x16x80x128xi32, #tpu.memory_space<hbm>>, %arg5: memref<632x128xf32, #tpu.memory_space<hbm>>, %arg6: memref<10112xf32, #tpu.memory_space<hbm>>, %arg7: memref<128xf32, #tpu.memory_space<hbm>>, %arg8: memref<2x10112x128xf32, #tpu.memory_space<hbm>>, %arg9: memref<2x10112xf32, #tpu.memory_space<hbm>>, %arg10: memref<2x10112xf32, #tpu.memory_space<hbm>>, %arg11: memref<10112x128xf32, #tpu.memory_space<vmem_shared>>, %arg12: memref<2x2x128xi32, #tpu.memory_space<vmem>>, %arg13: memref<2x2x128xi32, #tpu.memory_space<vmem>>, %arg14: memref<2x128x128xf32, #tpu.memory_space<vmem>>, %arg15: memref<10112xf32, #tpu.memory_space<vmem_shared>>, %arg16: memref<10112xf32, #tpu.memory_space<vmem_shared>>, %arg17: memref<128xf32, #tpu.memory_space<vmem>>, %arg18: memref<!tpu.dma_semaphore, #tpu.memory_space<semaphore_mem>>, %arg19: memref<!tpu.dma_semaphore, #tpu.memory_space<semaphore_mem>>, %arg20: memref<!tpu.dma_semaphore, #tpu.memory_space<semaphore_mem>>, %arg21: memref<!tpu.dma_semaphore, #tpu.memory_space<semaphore_mem>>, %arg22: memref<!tpu.dma_semaphore, #tpu.memory_space<semaphore_mem>>) attributes {dimension_semantics = [#tpu.dimension_semantics<core_parallel>, #tpu.dimension_semantics<subcore_parallel>], iteration_bounds = array<i64: 2, 16>, scalar_prefetch = 0 : i64, scratch_operands = 12 : i64, tpu.core_type = #tpu.core_type<sc_vector_subcore>, window_params = [{transform_indices = #map}, {transform_indices = #map1}, {transform_indices = #map1}, {transform_indices = #map}, {transform_indices = #map2}, {transform_indices = #map2}, {transform_indices = #map3}, {transform_indices = #map}, {transform_indices = #map}]} {
    %mul3A = arith.constant 632 : i32
    %mul3A_0 = arith.muli %arg1, %mul3A : i32
    "tpu.region"() ({
      %run_scoped3A_19 = tpu.sem_alloc : memref<!tpu.dma_semaphore, #tpu.memory_space<semaphore_mem>>
      %dma_start3A = arith.constant 0 : i32
      %dma_start3A_20 = tpu.memref_slice %arg11[%mul3A_0, %dma_start3A] : memref<10112x128xf32, #tpu.memory_space<vmem_shared>> -> memref<632x128xf32, #tpu.memory_space<vmem_shared>>
      tpu.enqueue_dma source(%arg5 : memref<632x128xf32, #tpu.memory_space<hbm>>) target(%dma_start3A_20 : memref<632x128xf32, #tpu.memory_space<vmem_shared>>) target_semaphore(%run_scoped3A_19 : memref<!tpu.dma_semaphore, #tpu.memory_space<semaphore_mem>>)
      %dma_wait3A = arith.constant 0 : i32
      %dma_wait3A_21 = tpu.memref_slice %arg11[%mul3A_0, %dma_wait3A] : memref<10112x128xf32, #tpu.memory_space<vmem_shared>> -> memref<632x128xf32, #tpu.memory_space<vmem_shared>>
      tpu.wait_dma2 semaphore(%run_scoped3A_19 : memref<!tpu.dma_semaphore, #tpu.memory_space<semaphore_mem>>) src(%arg5 : memref<632x128xf32, #tpu.memory_space<hbm>>) dst(%dma_wait3A_21 : memref<632x128xf32, #tpu.memory_space<vmem_shared>>)
      tpu.yield
    }) : () -> ()
    %eq3A = arith.constant 0 : i32
    %eq3A_1 = arith.cmpi eq, %arg1, %eq3A : i32
    %convert_element_type3A = arith.extui %eq3A_1 : i1 to i32
    %cond3A = arith.constant 0 : i32
    %cond3A_2 = arith.cmpi ne, %convert_element_type3A, %cond3A : i32
    scf.if %cond3A_2 {
      "tpu.region"() ({
        %run_scoped3A_19 = tpu.sem_alloc : memref<!tpu.dma_semaphore, #tpu.memory_space<semaphore_mem>>
        tpu.enqueue_dma source(%arg6 : memref<10112xf32, #tpu.memory_space<hbm>>) target(%arg15 : memref<10112xf32, #tpu.memory_space<vmem_shared>>) target_semaphore(%run_scoped3A_19 : memref<!tpu.dma_semaphore, #tpu.memory_space<semaphore_mem>>)
        tpu.wait_dma2 semaphore(%run_scoped3A_19 : memref<!tpu.dma_semaphore, #tpu.memory_space<semaphore_mem>>) src(%arg6 : memref<10112xf32, #tpu.memory_space<hbm>>) dst(%arg15 : memref<10112xf32, #tpu.memory_space<vmem_shared>>)
        tpu.yield
      }) : () -> ()
      "tpu.region"() ({
        %run_scoped3A_19 = tpu.sem_alloc : memref<!tpu.dma_semaphore, #tpu.memory_space<semaphore_mem>>
        tpu.enqueue_dma source(%arg6 : memref<10112xf32, #tpu.memory_space<hbm>>) target(%arg16 : memref<10112xf32, #tpu.memory_space<vmem_shared>>) target_semaphore(%run_scoped3A_19 : memref<!tpu.dma_semaphore, #tpu.memory_space<semaphore_mem>>)
        tpu.wait_dma2 semaphore(%run_scoped3A_19 : memref<!tpu.dma_semaphore, #tpu.memory_space<semaphore_mem>>) src(%arg6 : memref<10112xf32, #tpu.memory_space<hbm>>) dst(%arg16 : memref<10112xf32, #tpu.memory_space<vmem_shared>>)
        tpu.yield
      }) : () -> ()
    } else {
    }
    "tpu.region"() ({
      %run_scoped3A_19 = tpu.sem_alloc : memref<!tpu.dma_semaphore, #tpu.memory_space<semaphore_mem>>
      tpu.enqueue_dma source(%arg7 : memref<128xf32, #tpu.memory_space<hbm>>) target(%arg17 : memref<128xf32, #tpu.memory_space<vmem>>) target_semaphore(%run_scoped3A_19 : memref<!tpu.dma_semaphore, #tpu.memory_space<semaphore_mem>>)
      tpu.wait_dma2 semaphore(%run_scoped3A_19 : memref<!tpu.dma_semaphore, #tpu.memory_space<semaphore_mem>>) src(%arg7 : memref<128xf32, #tpu.memory_space<hbm>>) dst(%arg17 : memref<128xf32, #tpu.memory_space<vmem>>)
      tpu.yield
    }) : () -> ()
    %run_scoped3A = arith.constant 0 : i32
    "tpu.region"() ({
      %run_scoped3A_19 = tpu.sem_alloc : memref<!tpu.dma_semaphore, #tpu.memory_space<semaphore_mem>>
      %dma_start3A = arith.constant 0 : i32
      %dma_start3A_20 = arith.constant 0 : i32
      %dma_start3A_21 = tpu.memref_slice %arg12[%run_scoped3A, %dma_start3A, %dma_start3A_20] : memref<2x2x128xi32, #tpu.memory_space<vmem>> -> memref<1x2x128xi32, #tpu.memory_space<vmem>>
      %dma_start3A_22 = tpu.memref_squeeze %dma_start3A_21 : memref<1x2x128xi32, #tpu.memory_space<vmem>> -> memref<2x128xi32, #tpu.memory_space<vmem>>
      %dma_start3A_23 = arith.constant 0 : i32
      %dma_start3A_24 = arith.constant 0 : i32
      %dma_start3A_25 = tpu.memref_slice %arg3[%arg0, %arg1, %dma_start3A_23, %dma_start3A_24] : memref<2x16x80x128xi32, #tpu.memory_space<hbm>> -> memref<1x1x2x128xi32, #tpu.memory_space<hbm>>
      %dma_start3A_26 = tpu.memref_squeeze %dma_start3A_25 : memref<1x1x2x128xi32, #tpu.memory_space<hbm>> -> memref<2x128xi32, #tpu.memory_space<hbm>>
      %dma_start3A_27 = arith.constant 0 : i32
      %dma_start3A_28 = arith.constant 0 : i32
      %dma_start3A_29 = tpu.memref_slice %arg12[%run_scoped3A, %dma_start3A_27, %dma_start3A_28] : memref<2x2x128xi32, #tpu.memory_space<vmem>> -> memref<1x2x128xi32, #tpu.memory_space<vmem>>
      %dma_start3A_30 = tpu.memref_squeeze %dma_start3A_29 : memref<1x2x128xi32, #tpu.memory_space<vmem>> -> memref<2x128xi32, #tpu.memory_space<vmem>>
      %dma_start3A_31 = arith.constant 0 : i32
      %dma_start3A_32 = arith.constant 0 : i32
      %dma_start3A_33 = tpu.memref_slice %arg3[%arg0, %arg1, %dma_start3A_31, %dma_start3A_32] : memref<2x16x80x128xi32, #tpu.memory_space<hbm>> -> memref<1x1x2x128xi32, #tpu.memory_space<hbm>>
      %dma_start3A_34 = tpu.memref_squeeze %dma_start3A_33 : memref<1x1x2x128xi32, #tpu.memory_space<hbm>> -> memref<2x128xi32, #tpu.memory_space<hbm>>
      tpu.enqueue_dma source(%dma_start3A_34 : memref<2x128xi32, #tpu.memory_space<hbm>>) target(%dma_start3A_30 : memref<2x128xi32, #tpu.memory_space<vmem>>) target_semaphore(%run_scoped3A_19 : memref<!tpu.dma_semaphore, #tpu.memory_space<semaphore_mem>>)
      %dma_wait3A = arith.constant 0 : i32
      %dma_wait3A_35 = arith.constant 0 : i32
      %dma_wait3A_36 = tpu.memref_slice %arg12[%run_scoped3A, %dma_wait3A, %dma_wait3A_35] : memref<2x2x128xi32, #tpu.memory_space<vmem>> -> memref<1x2x128xi32, #tpu.memory_space<vmem>>
      %dma_wait3A_37 = tpu.memref_squeeze %dma_wait3A_36 : memref<1x2x128xi32, #tpu.memory_space<vmem>> -> memref<2x128xi32, #tpu.memory_space<vmem>>
      %dma_wait3A_38 = arith.constant 0 : i32
      %dma_wait3A_39 = arith.constant 0 : i32
      %dma_wait3A_40 = tpu.memref_slice %arg3[%arg0, %arg1, %dma_wait3A_38, %dma_wait3A_39] : memref<2x16x80x128xi32, #tpu.memory_space<hbm>> -> memref<1x1x2x128xi32, #tpu.memory_space<hbm>>
      %dma_wait3A_41 = tpu.memref_squeeze %dma_wait3A_40 : memref<1x1x2x128xi32, #tpu.memory_space<hbm>> -> memref<2x128xi32, #tpu.memory_space<hbm>>
      %dma_wait3A_42 = arith.constant 0 : i32
      %dma_wait3A_43 = arith.constant 0 : i32
      %dma_wait3A_44 = tpu.memref_slice %arg12[%run_scoped3A, %dma_wait3A_42, %dma_wait3A_43] : memref<2x2x128xi32, #tpu.memory_space<vmem>> -> memref<1x2x128xi32, #tpu.memory_space<vmem>>
      %dma_wait3A_45 = tpu.memref_squeeze %dma_wait3A_44 : memref<1x2x128xi32, #tpu.memory_space<vmem>> -> memref<2x128xi32, #tpu.memory_space<vmem>>
      %dma_wait3A_46 = arith.constant 0 : i32
      %dma_wait3A_47 = arith.constant 0 : i32
      %dma_wait3A_48 = tpu.memref_slice %arg3[%arg0, %arg1, %dma_wait3A_46, %dma_wait3A_47] : memref<2x16x80x128xi32, #tpu.memory_space<hbm>> -> memref<1x1x2x128xi32, #tpu.memory_space<hbm>>
      %dma_wait3A_49 = tpu.memref_squeeze %dma_wait3A_48 : memref<1x1x2x128xi32, #tpu.memory_space<hbm>> -> memref<2x128xi32, #tpu.memory_space<hbm>>
      tpu.wait_dma2 semaphore(%run_scoped3A_19 : memref<!tpu.dma_semaphore, #tpu.memory_space<semaphore_mem>>) src(%dma_wait3A_49 : memref<2x128xi32, #tpu.memory_space<hbm>>) dst(%dma_wait3A_45 : memref<2x128xi32, #tpu.memory_space<vmem>>)
      tpu.yield
    }) : () -> ()
    %run_scoped3A_3 = arith.constant 0 : i32
    "tpu.region"() ({
      %run_scoped3A_19 = tpu.sem_alloc : memref<!tpu.dma_semaphore, #tpu.memory_space<semaphore_mem>>
      %dma_start3A = arith.constant 0 : i32
      %dma_start3A_20 = arith.constant 0 : i32
      %dma_start3A_21 = tpu.memref_slice %arg13[%run_scoped3A_3, %dma_start3A, %dma_start3A_20] : memref<2x2x128xi32, #tpu.memory_space<vmem>> -> memref<1x2x128xi32, #tpu.memory_space<vmem>>
      %dma_start3A_22 = tpu.memref_squeeze %dma_start3A_21 : memref<1x2x128xi32, #tpu.memory_space<vmem>> -> memref<2x128xi32, #tpu.memory_space<vmem>>
      %dma_start3A_23 = arith.constant 0 : i32
      %dma_start3A_24 = arith.constant 0 : i32
      %dma_start3A_25 = tpu.memref_slice %arg4[%arg0, %arg1, %dma_start3A_23, %dma_start3A_24] : memref<2x16x80x128xi32, #tpu.memory_space<hbm>> -> memref<1x1x2x128xi32, #tpu.memory_space<hbm>>
      %dma_start3A_26 = tpu.memref_squeeze %dma_start3A_25 : memref<1x1x2x128xi32, #tpu.memory_space<hbm>> -> memref<2x128xi32, #tpu.memory_space<hbm>>
      %dma_start3A_27 = arith.constant 0 : i32
      %dma_start3A_28 = arith.constant 0 : i32
      %dma_start3A_29 = tpu.memref_slice %arg13[%run_scoped3A_3, %dma_start3A_27, %dma_start3A_28] : memref<2x2x128xi32, #tpu.memory_space<vmem>> -> memref<1x2x128xi32, #tpu.memory_space<vmem>>
      %dma_start3A_30 = tpu.memref_squeeze %dma_start3A_29 : memref<1x2x128xi32, #tpu.memory_space<vmem>> -> memref<2x128xi32, #tpu.memory_space<vmem>>
      %dma_start3A_31 = arith.constant 0 : i32
      %dma_start3A_32 = arith.constant 0 : i32
      %dma_start3A_33 = tpu.memref_slice %arg4[%arg0, %arg1, %dma_start3A_31, %dma_start3A_32] : memref<2x16x80x128xi32, #tpu.memory_space<hbm>> -> memref<1x1x2x128xi32, #tpu.memory_space<hbm>>
      %dma_start3A_34 = tpu.memref_squeeze %dma_start3A_33 : memref<1x1x2x128xi32, #tpu.memory_space<hbm>> -> memref<2x128xi32, #tpu.memory_space<hbm>>
      tpu.enqueue_dma source(%dma_start3A_34 : memref<2x128xi32, #tpu.memory_space<hbm>>) target(%dma_start3A_30 : memref<2x128xi32, #tpu.memory_space<vmem>>) target_semaphore(%run_scoped3A_19 : memref<!tpu.dma_semaphore, #tpu.memory_space<semaphore_mem>>)
      %dma_wait3A = arith.constant 0 : i32
      %dma_wait3A_35 = arith.constant 0 : i32
      %dma_wait3A_36 = tpu.memref_slice %arg13[%run_scoped3A_3, %dma_wait3A, %dma_wait3A_35] : memref<2x2x128xi32, #tpu.memory_space<vmem>> -> memref<1x2x128xi32, #tpu.memory_space<vmem>>
      %dma_wait3A_37 = tpu.memref_squeeze %dma_wait3A_36 : memref<1x2x128xi32, #tpu.memory_space<vmem>> -> memref<2x128xi32, #tpu.memory_space<vmem>>
      %dma_wait3A_38 = arith.constant 0 : i32
      %dma_wait3A_39 = arith.constant 0 : i32
      %dma_wait3A_40 = tpu.memref_slice %arg4[%arg0, %arg1, %dma_wait3A_38, %dma_wait3A_39] : memref<2x16x80x128xi32, #tpu.memory_space<hbm>> -> memref<1x1x2x128xi32, #tpu.memory_space<hbm>>
      %dma_wait3A_41 = tpu.memref_squeeze %dma_wait3A_40 : memref<1x1x2x128xi32, #tpu.memory_space<hbm>> -> memref<2x128xi32, #tpu.memory_space<hbm>>
      %dma_wait3A_42 = arith.constant 0 : i32
      %dma_wait3A_43 = arith.constant 0 : i32
      %dma_wait3A_44 = tpu.memref_slice %arg13[%run_scoped3A_3, %dma_wait3A_42, %dma_wait3A_43] : memref<2x2x128xi32, #tpu.memory_space<vmem>> -> memref<1x2x128xi32, #tpu.memory_space<vmem>>
      %dma_wait3A_45 = tpu.memref_squeeze %dma_wait3A_44 : memref<1x2x128xi32, #tpu.memory_space<vmem>> -> memref<2x128xi32, #tpu.memory_space<vmem>>
      %dma_wait3A_46 = arith.constant 0 : i32
      %dma_wait3A_47 = arith.constant 0 : i32
      %dma_wait3A_48 = tpu.memref_slice %arg4[%arg0, %arg1, %dma_wait3A_46, %dma_wait3A_47] : memref<2x16x80x128xi32, #tpu.memory_space<hbm>> -> memref<1x1x2x128xi32, #tpu.memory_space<hbm>>
      %dma_wait3A_49 = tpu.memref_squeeze %dma_wait3A_48 : memref<1x1x2x128xi32, #tpu.memory_space<hbm>> -> memref<2x128xi32, #tpu.memory_space<hbm>>
      tpu.wait_dma2 semaphore(%run_scoped3A_19 : memref<!tpu.dma_semaphore, #tpu.memory_space<semaphore_mem>>) src(%dma_wait3A_49 : memref<2x128xi32, #tpu.memory_space<hbm>>) dst(%dma_wait3A_45 : memref<2x128xi32, #tpu.memory_space<vmem>>)
      tpu.yield
    }) : () -> ()
    %barrier3A = arith.constant 0 : index
    tpu.barrier barrier_id(%barrier3A)
    %scan3A = arith.constant 0 : i32
    %scan3A_4 = arith.constant 0 : i32
    %scan3A_5 = arith.constant 40 : i32
    %scan3A_6 = arith.addi %scan3A_4, %scan3A_5 : i32
    %scan3A_7 = arith.constant 1 : i32
    scf.for %scan3A_19 = %scan3A_4 to %scan3A_6 step %scan3A_7  : i32 {
      %rem3A = arith.constant 2 : i32
      %rem3A_20 = arith.remsi %scan3A_19, %rem3A : i32
      %sub3A = arith.constant 1 : i32
      %sub3A_21 = arith.subi %sub3A, %rem3A_20 : i32
      %add3A = arith.constant 1 : i32
      %add3A_22 = arith.addi %scan3A_19, %add3A : i32
      %min3A = arith.constant 39 : i32
      %min3A_23 = arith.minsi %add3A_22, %min3A : i32
      %dma_start3A = arith.constant 0 : i32
      %dma_start3A_24 = arith.constant 0 : i32
      %dma_start3A_25 = arith.constant 0 : i32
      %dma_start3A_26 = arith.constant 0 : i32
      %dma_start3A_27 = tpu.memref_slice %arg14[%dma_start3A_24, %dma_start3A_25, %dma_start3A_26] : memref<2x128x128xf32, #tpu.memory_space<vmem>> -> memref<1x128x128xf32, #tpu.memory_space<vmem>>
      %dma_start3A_28 = tpu.memref_squeeze %dma_start3A_27 : memref<1x128x128xf32, #tpu.memory_space<vmem>> -> memref<128x128xf32, #tpu.memory_space<vmem>>
      %dma_start3A_29 = arith.constant 0 : i32
      %dma_start3A_30 = tpu.memref_slice %arg12[%rem3A_20, %dma_start3A, %dma_start3A_29] : memref<2x2x128xi32, #tpu.memory_space<vmem>> -> memref<1x1x128xi32, #tpu.memory_space<vmem>>
      %dma_start3A_31 = tpu.memref_squeeze %dma_start3A_30 : memref<1x1x128xi32, #tpu.memory_space<vmem>> -> memref<128xi32, #tpu.memory_space<vmem>>
      %dma_start3A_32 = arith.constant 0 : i32
      %dma_start3A_33 = arith.constant 0 : i32
      %dma_start3A_34 = tpu.memref_slice %arg2[%dma_start3A_32, %dma_start3A_33] : memref<10000x128xf32, #tpu.memory_space<hbm>> -> memref<10000x128xf32, #tpu.memory_space<hbm>>
      tpu.enqueue_indirect_dma source(%dma_start3A_34 : memref<10000x128xf32, #tpu.memory_space<hbm>>) target(%dma_start3A_28 : memref<128x128xf32, #tpu.memory_space<vmem>>) offsets(%dma_start3A_31 : memref<128xi32, #tpu.memory_space<vmem>>) semaphore(%arg18 : memref<!tpu.dma_semaphore, #tpu.memory_space<semaphore_mem>>)
      %dma_start3A_35 = arith.constant 1 : i32
      %dma_start3A_36 = arith.constant 1 : i32
      %dma_start3A_37 = arith.constant 0 : i32
      %dma_start3A_38 = arith.constant 0 : i32
      %dma_start3A_39 = tpu.memref_slice %arg14[%dma_start3A_36, %dma_start3A_37, %dma_start3A_38] : memref<2x128x128xf32, #tpu.memory_space<vmem>> -> memref<1x128x128xf32, #tpu.memory_space<vmem>>
      %dma_start3A_40 = tpu.memref_squeeze %dma_start3A_39 : memref<1x128x128xf32, #tpu.memory_space<vmem>> -> memref<128x128xf32, #tpu.memory_space<vmem>>
      %dma_start3A_41 = arith.constant 0 : i32
      %dma_start3A_42 = tpu.memref_slice %arg12[%rem3A_20, %dma_start3A_35, %dma_start3A_41] : memref<2x2x128xi32, #tpu.memory_space<vmem>> -> memref<1x1x128xi32, #tpu.memory_space<vmem>>
      %dma_start3A_43 = tpu.memref_squeeze %dma_start3A_42 : memref<1x1x128xi32, #tpu.memory_space<vmem>> -> memref<128xi32, #tpu.memory_space<vmem>>
      %dma_start3A_44 = arith.constant 0 : i32
      %dma_start3A_45 = arith.constant 0 : i32
      %dma_start3A_46 = tpu.memref_slice %arg2[%dma_start3A_44, %dma_start3A_45] : memref<10000x128xf32, #tpu.memory_space<hbm>> -> memref<10000x128xf32, #tpu.memory_space<hbm>>
      tpu.enqueue_indirect_dma source(%dma_start3A_46 : memref<10000x128xf32, #tpu.memory_space<hbm>>) target(%dma_start3A_40 : memref<128x128xf32, #tpu.memory_space<vmem>>) offsets(%dma_start3A_43 : memref<128xi32, #tpu.memory_space<vmem>>) semaphore(%arg19 : memref<!tpu.dma_semaphore, #tpu.memory_space<semaphore_mem>>)
      %mul3A_47 = arith.constant 2 : i32
      %mul3A_48 = arith.muli %min3A_23, %mul3A_47 : i32
      %dma_start3A_49 = arith.constant 0 : i32
      %dma_start3A_50 = arith.constant 0 : i32
      %dma_start3A_51 = tpu.memref_slice %arg12[%sub3A_21, %dma_start3A_49, %dma_start3A_50] : memref<2x2x128xi32, #tpu.memory_space<vmem>> -> memref<1x2x128xi32, #tpu.memory_space<vmem>>
      %dma_start3A_52 = tpu.memref_squeeze %dma_start3A_51 : memref<1x2x128xi32, #tpu.memory_space<vmem>> -> memref<2x128xi32, #tpu.memory_space<vmem>>
      %dma_start3A_53 = arith.constant 0 : i32
      %dma_start3A_54 = tpu.memref_slice %arg3[%arg0, %arg1, %mul3A_48, %dma_start3A_53] : memref<2x16x80x128xi32, #tpu.memory_space<hbm>> -> memref<1x1x2x128xi32, #tpu.memory_space<hbm>>
      %dma_start3A_55 = tpu.memref_squeeze %dma_start3A_54 : memref<1x1x2x128xi32, #tpu.memory_space<hbm>> -> memref<2x128xi32, #tpu.memory_space<hbm>>
      %dma_start3A_56 = arith.constant 0 : i32
      %dma_start3A_57 = arith.constant 0 : i32
      %dma_start3A_58 = tpu.memref_slice %arg12[%sub3A_21, %dma_start3A_56, %dma_start3A_57] : memref<2x2x128xi32, #tpu.memory_space<vmem>> -> memref<1x2x128xi32, #tpu.memory_space<vmem>>
      %dma_start3A_59 = tpu.memref_squeeze %dma_start3A_58 : memref<1x2x128xi32, #tpu.memory_space<vmem>> -> memref<2x128xi32, #tpu.memory_space<vmem>>
      %dma_start3A_60 = arith.constant 0 : i32
      %dma_start3A_61 = tpu.memref_slice %arg3[%arg0, %arg1, %mul3A_48, %dma_start3A_60] : memref<2x16x80x128xi32, #tpu.memory_space<hbm>> -> memref<1x1x2x128xi32, #tpu.memory_space<hbm>>
      %dma_start3A_62 = tpu.memref_squeeze %dma_start3A_61 : memref<1x1x2x128xi32, #tpu.memory_space<hbm>> -> memref<2x128xi32, #tpu.memory_space<hbm>>
      tpu.enqueue_dma source(%dma_start3A_62 : memref<2x128xi32, #tpu.memory_space<hbm>>) target(%dma_start3A_59 : memref<2x128xi32, #tpu.memory_space<vmem>>) target_semaphore(%arg22 : memref<!tpu.dma_semaphore, #tpu.memory_space<semaphore_mem>>)
      %mul3A_63 = arith.constant 2 : i32
      %mul3A_64 = arith.muli %min3A_23, %mul3A_63 : i32
      %dma_start3A_65 = arith.constant 0 : i32
      %dma_start3A_66 = arith.constant 0 : i32
      %dma_start3A_67 = tpu.memref_slice %arg13[%sub3A_21, %dma_start3A_65, %dma_start3A_66] : memref<2x2x128xi32, #tpu.memory_space<vmem>> -> memref<1x2x128xi32, #tpu.memory_space<vmem>>
      %dma_start3A_68 = tpu.memref_squeeze %dma_start3A_67 : memref<1x2x128xi32, #tpu.memory_space<vmem>> -> memref<2x128xi32, #tpu.memory_space<vmem>>
      %dma_start3A_69 = arith.constant 0 : i32
      %dma_start3A_70 = tpu.memref_slice %arg4[%arg0, %arg1, %mul3A_64, %dma_start3A_69] : memref<2x16x80x128xi32, #tpu.memory_space<hbm>> -> memref<1x1x2x128xi32, #tpu.memory_space<hbm>>
      %dma_start3A_71 = tpu.memref_squeeze %dma_start3A_70 : memref<1x1x2x128xi32, #tpu.memory_space<hbm>> -> memref<2x128xi32, #tpu.memory_space<hbm>>
      %dma_start3A_72 = arith.constant 0 : i32
      %dma_start3A_73 = arith.constant 0 : i32
      %dma_start3A_74 = tpu.memref_slice %arg13[%sub3A_21, %dma_start3A_72, %dma_start3A_73] : memref<2x2x128xi32, #tpu.memory_space<vmem>> -> memref<1x2x128xi32, #tpu.memory_space<vmem>>
      %dma_start3A_75 = tpu.memref_squeeze %dma_start3A_74 : memref<1x2x128xi32, #tpu.memory_space<vmem>> -> memref<2x128xi32, #tpu.memory_space<vmem>>
      %dma_start3A_76 = arith.constant 0 : i32
      %dma_start3A_77 = tpu.memref_slice %arg4[%arg0, %arg1, %mul3A_64, %dma_start3A_76] : memref<2x16x80x128xi32, #tpu.memory_space<hbm>> -> memref<1x1x2x128xi32, #tpu.memory_space<hbm>>
      %dma_start3A_78 = tpu.memref_squeeze %dma_start3A_77 : memref<1x1x2x128xi32, #tpu.memory_space<hbm>> -> memref<2x128xi32, #tpu.memory_space<hbm>>
      tpu.enqueue_dma source(%dma_start3A_78 : memref<2x128xi32, #tpu.memory_space<hbm>>) target(%dma_start3A_75 : memref<2x128xi32, #tpu.memory_space<vmem>>) target_semaphore(%arg22 : memref<!tpu.dma_semaphore, #tpu.memory_space<semaphore_mem>>)
      %dma_wait3A = arith.constant 0 : i32
      %dma_wait3A_79 = arith.constant 0 : i32
      %dma_wait3A_80 = arith.constant 0 : i32
      %dma_wait3A_81 = arith.constant 0 : i32
      %dma_wait3A_82 = tpu.memref_slice %arg14[%dma_wait3A_79, %dma_wait3A_80, %dma_wait3A_81] : memref<2x128x128xf32, #tpu.memory_space<vmem>> -> memref<1x128x128xf32, #tpu.memory_space<vmem>>
      %dma_wait3A_83 = tpu.memref_squeeze %dma_wait3A_82 : memref<1x128x128xf32, #tpu.memory_space<vmem>> -> memref<128x128xf32, #tpu.memory_space<vmem>>
      %dma_wait3A_84 = arith.constant 0 : i32
      %dma_wait3A_85 = tpu.memref_slice %arg12[%rem3A_20, %dma_wait3A, %dma_wait3A_84] : memref<2x2x128xi32, #tpu.memory_space<vmem>> -> memref<1x1x128xi32, #tpu.memory_space<vmem>>
      %dma_wait3A_86 = tpu.memref_squeeze %dma_wait3A_85 : memref<1x1x128xi32, #tpu.memory_space<vmem>> -> memref<128xi32, #tpu.memory_space<vmem>>
      %dma_wait3A_87 = arith.constant 0 : i32
      %dma_wait3A_88 = arith.constant 0 : i32
      %dma_wait3A_89 = tpu.memref_slice %arg2[%dma_wait3A_87, %dma_wait3A_88] : memref<10000x128xf32, #tpu.memory_space<hbm>> -> memref<10000x128xf32, #tpu.memory_space<hbm>>
      tpu.wait_indirect_dma semaphore(%arg18 : memref<!tpu.dma_semaphore, #tpu.memory_space<semaphore_mem>>) src(%dma_wait3A_89 : memref<10000x128xf32, #tpu.memory_space<hbm>>) dst(%dma_wait3A_83 : memref<128x128xf32, #tpu.memory_space<vmem>>)
      %dma_start3A_90 = arith.constant 0 : i32
      %dma_start3A_91 = arith.constant 0 : i32
      %dma_start3A_92 = arith.constant 0 : i32
      %dma_start3A_93 = arith.constant 0 : i32
      %dma_start3A_94 = tpu.memref_slice %arg14[%dma_start3A_90, %dma_start3A_92, %dma_start3A_93] : memref<2x128x128xf32, #tpu.memory_space<vmem>> -> memref<1x128x128xf32, #tpu.memory_space<vmem>>
      %dma_start3A_95 = tpu.memref_squeeze %dma_start3A_94 : memref<1x128x128xf32, #tpu.memory_space<vmem>> -> memref<128x128xf32, #tpu.memory_space<vmem>>
      %dma_start3A_96 = arith.constant 0 : i32
      %dma_start3A_97 = tpu.memref_slice %arg13[%rem3A_20, %dma_start3A_91, %dma_start3A_96] : memref<2x2x128xi32, #tpu.memory_space<vmem>> -> memref<1x1x128xi32, #tpu.memory_space<vmem>>
      %dma_start3A_98 = tpu.memref_squeeze %dma_start3A_97 : memref<1x1x128xi32, #tpu.memory_space<vmem>> -> memref<128xi32, #tpu.memory_space<vmem>>
      %dma_start3A_99 = arith.constant 0 : i32
      %dma_start3A_100 = arith.constant 0 : i32
      %dma_start3A_101 = tpu.memref_slice %arg11[%dma_start3A_99, %dma_start3A_100] : memref<10112x128xf32, #tpu.memory_space<vmem_shared>> -> memref<10112x128xf32, #tpu.memory_space<vmem_shared>>
      tpu.enqueue_indirect_dma source(%dma_start3A_95 : memref<128x128xf32, #tpu.memory_space<vmem>>) target(%dma_start3A_101 : memref<10112x128xf32, #tpu.memory_space<vmem_shared>>) offsets(%dma_start3A_98 : memref<128xi32, #tpu.memory_space<vmem>>) semaphore(%arg20 : memref<!tpu.dma_semaphore, #tpu.memory_space<semaphore_mem>>) {add = true}
      %dma_start3A_102 = arith.constant 0 : i32
      %dma_start3A_103 = arith.constant 0 : i32
      %dma_start3A_104 = tpu.memref_slice %arg13[%rem3A_20, %dma_start3A_102, %dma_start3A_103] : memref<2x2x128xi32, #tpu.memory_space<vmem>> -> memref<1x1x128xi32, #tpu.memory_space<vmem>>
      %dma_start3A_105 = tpu.memref_squeeze %dma_start3A_104 : memref<1x1x128xi32, #tpu.memory_space<vmem>> -> memref<128xi32, #tpu.memory_space<vmem>>
      %dma_start3A_106 = arith.constant 0 : i32
      %dma_start3A_107 = tpu.memref_slice %arg15[%dma_start3A_106] : memref<10112xf32, #tpu.memory_space<vmem_shared>> -> memref<10112xf32, #tpu.memory_space<vmem_shared>>
      tpu.enqueue_indirect_dma source(%arg17 : memref<128xf32, #tpu.memory_space<vmem>>) target(%dma_start3A_107 : memref<10112xf32, #tpu.memory_space<vmem_shared>>) offsets(%dma_start3A_105 : memref<128xi32, #tpu.memory_space<vmem>>) semaphore(%arg20 : memref<!tpu.dma_semaphore, #tpu.memory_space<semaphore_mem>>) {add = true}
      %dma_start3A_108 = arith.constant 0 : i32
      %dma_start3A_109 = arith.constant 0 : i32
      %dma_start3A_110 = tpu.memref_slice %arg12[%rem3A_20, %dma_start3A_108, %dma_start3A_109] : memref<2x2x128xi32, #tpu.memory_space<vmem>> -> memref<1x1x128xi32, #tpu.memory_space<vmem>>
      %dma_start3A_111 = tpu.memref_squeeze %dma_start3A_110 : memref<1x1x128xi32, #tpu.memory_space<vmem>> -> memref<128xi32, #tpu.memory_space<vmem>>
      %dma_start3A_112 = arith.constant 0 : i32
      %dma_start3A_113 = tpu.memref_slice %arg16[%dma_start3A_112] : memref<10112xf32, #tpu.memory_space<vmem_shared>> -> memref<10112xf32, #tpu.memory_space<vmem_shared>>
      tpu.enqueue_indirect_dma source(%arg17 : memref<128xf32, #tpu.memory_space<vmem>>) target(%dma_start3A_113 : memref<10112xf32, #tpu.memory_space<vmem_shared>>) offsets(%dma_start3A_111 : memref<128xi32, #tpu.memory_space<vmem>>) semaphore(%arg20 : memref<!tpu.dma_semaphore, #tpu.memory_space<semaphore_mem>>) {add = true}
      %dma_wait3A_114 = arith.constant 1 : i32
      %dma_wait3A_115 = arith.constant 1 : i32
      %dma_wait3A_116 = arith.constant 0 : i32
      %dma_wait3A_117 = arith.constant 0 : i32
      %dma_wait3A_118 = tpu.memref_slice %arg14[%dma_wait3A_115, %dma_wait3A_116, %dma_wait3A_117] : memref<2x128x128xf32, #tpu.memory_space<vmem>> -> memref<1x128x128xf32, #tpu.memory_space<vmem>>
      %dma_wait3A_119 = tpu.memref_squeeze %dma_wait3A_118 : memref<1x128x128xf32, #tpu.memory_space<vmem>> -> memref<128x128xf32, #tpu.memory_space<vmem>>
      %dma_wait3A_120 = arith.constant 0 : i32
      %dma_wait3A_121 = tpu.memref_slice %arg12[%rem3A_20, %dma_wait3A_114, %dma_wait3A_120] : memref<2x2x128xi32, #tpu.memory_space<vmem>> -> memref<1x1x128xi32, #tpu.memory_space<vmem>>
      %dma_wait3A_122 = tpu.memref_squeeze %dma_wait3A_121 : memref<1x1x128xi32, #tpu.memory_space<vmem>> -> memref<128xi32, #tpu.memory_space<vmem>>
      %dma_wait3A_123 = arith.constant 0 : i32
      %dma_wait3A_124 = arith.constant 0 : i32
      %dma_wait3A_125 = tpu.memref_slice %arg2[%dma_wait3A_123, %dma_wait3A_124] : memref<10000x128xf32, #tpu.memory_space<hbm>> -> memref<10000x128xf32, #tpu.memory_space<hbm>>
      tpu.wait_indirect_dma semaphore(%arg19 : memref<!tpu.dma_semaphore, #tpu.memory_space<semaphore_mem>>) src(%dma_wait3A_125 : memref<10000x128xf32, #tpu.memory_space<hbm>>) dst(%dma_wait3A_119 : memref<128x128xf32, #tpu.memory_space<vmem>>)
      %dma_start3A_126 = arith.constant 1 : i32
      %dma_start3A_127 = arith.constant 1 : i32
      %dma_start3A_128 = arith.constant 0 : i32
      %dma_start3A_129 = arith.constant 0 : i32
      %dma_start3A_130 = tpu.memref_slice %arg14[%dma_start3A_126, %dma_start3A_128, %dma_start3A_129] : memref<2x128x128xf32, #tpu.memory_space<vmem>> -> memref<1x128x128xf32, #tpu.memory_space<vmem>>
      %dma_start3A_131 = tpu.memref_squeeze %dma_start3A_130 : memref<1x128x128xf32, #tpu.memory_space<vmem>> -> memref<128x128xf32, #tpu.memory_space<vmem>>
      %dma_start3A_132 = arith.constant 0 : i32
      %dma_start3A_133 = tpu.memref_slice %arg13[%rem3A_20, %dma_start3A_127, %dma_start3A_132] : memref<2x2x128xi32, #tpu.memory_space<vmem>> -> memref<1x1x128xi32, #tpu.memory_space<vmem>>
      %dma_start3A_134 = tpu.memref_squeeze %dma_start3A_133 : memref<1x1x128xi32, #tpu.memory_space<vmem>> -> memref<128xi32, #tpu.memory_space<vmem>>
      %dma_start3A_135 = arith.constant 0 : i32
      %dma_start3A_136 = arith.constant 0 : i32
      %dma_start3A_137 = tpu.memref_slice %arg11[%dma_start3A_135, %dma_start3A_136] : memref<10112x128xf32, #tpu.memory_space<vmem_shared>> -> memref<10112x128xf32, #tpu.memory_space<vmem_shared>>
      tpu.enqueue_indirect_dma source(%dma_start3A_131 : memref<128x128xf32, #tpu.memory_space<vmem>>) target(%dma_start3A_137 : memref<10112x128xf32, #tpu.memory_space<vmem_shared>>) offsets(%dma_start3A_134 : memref<128xi32, #tpu.memory_space<vmem>>) semaphore(%arg21 : memref<!tpu.dma_semaphore, #tpu.memory_space<semaphore_mem>>) {add = true}
      %dma_start3A_138 = arith.constant 1 : i32
      %dma_start3A_139 = arith.constant 0 : i32
      %dma_start3A_140 = tpu.memref_slice %arg13[%rem3A_20, %dma_start3A_138, %dma_start3A_139] : memref<2x2x128xi32, #tpu.memory_space<vmem>> -> memref<1x1x128xi32, #tpu.memory_space<vmem>>
      %dma_start3A_141 = tpu.memref_squeeze %dma_start3A_140 : memref<1x1x128xi32, #tpu.memory_space<vmem>> -> memref<128xi32, #tpu.memory_space<vmem>>
      %dma_start3A_142 = arith.constant 0 : i32
      %dma_start3A_143 = tpu.memref_slice %arg15[%dma_start3A_142] : memref<10112xf32, #tpu.memory_space<vmem_shared>> -> memref<10112xf32, #tpu.memory_space<vmem_shared>>
      tpu.enqueue_indirect_dma source(%arg17 : memref<128xf32, #tpu.memory_space<vmem>>) target(%dma_start3A_143 : memref<10112xf32, #tpu.memory_space<vmem_shared>>) offsets(%dma_start3A_141 : memref<128xi32, #tpu.memory_space<vmem>>) semaphore(%arg21 : memref<!tpu.dma_semaphore, #tpu.memory_space<semaphore_mem>>) {add = true}
      %dma_start3A_144 = arith.constant 1 : i32
      %dma_start3A_145 = arith.constant 0 : i32
      %dma_start3A_146 = tpu.memref_slice %arg12[%rem3A_20, %dma_start3A_144, %dma_start3A_145] : memref<2x2x128xi32, #tpu.memory_space<vmem>> -> memref<1x1x128xi32, #tpu.memory_space<vmem>>
      %dma_start3A_147 = tpu.memref_squeeze %dma_start3A_146 : memref<1x1x128xi32, #tpu.memory_space<vmem>> -> memref<128xi32, #tpu.memory_space<vmem>>
      %dma_start3A_148 = arith.constant 0 : i32
      %dma_start3A_149 = tpu.memref_slice %arg16[%dma_start3A_148] : memref<10112xf32, #tpu.memory_space<vmem_shared>> -> memref<10112xf32, #tpu.memory_space<vmem_shared>>
      tpu.enqueue_indirect_dma source(%arg17 : memref<128xf32, #tpu.memory_space<vmem>>) target(%dma_start3A_149 : memref<10112xf32, #tpu.memory_space<vmem_shared>>) offsets(%dma_start3A_147 : memref<128xi32, #tpu.memory_space<vmem>>) semaphore(%arg21 : memref<!tpu.dma_semaphore, #tpu.memory_space<semaphore_mem>>) {add = true}
      %dma_wait3A_150 = arith.constant 0 : i32
      %dma_wait3A_151 = arith.constant 0 : i32
      %dma_wait3A_152 = arith.constant 0 : i32
      %dma_wait3A_153 = arith.constant 0 : i32
      %dma_wait3A_154 = tpu.memref_slice %arg14[%dma_wait3A_150, %dma_wait3A_152, %dma_wait3A_153] : memref<2x128x128xf32, #tpu.memory_space<vmem>> -> memref<1x128x128xf32, #tpu.memory_space<vmem>>
      %dma_wait3A_155 = tpu.memref_squeeze %dma_wait3A_154 : memref<1x128x128xf32, #tpu.memory_space<vmem>> -> memref<128x128xf32, #tpu.memory_space<vmem>>
      %dma_wait3A_156 = arith.constant 0 : i32
      %dma_wait3A_157 = tpu.memref_slice %arg13[%rem3A_20, %dma_wait3A_151, %dma_wait3A_156] : memref<2x2x128xi32, #tpu.memory_space<vmem>> -> memref<1x1x128xi32, #tpu.memory_space<vmem>>
      %dma_wait3A_158 = tpu.memref_squeeze %dma_wait3A_157 : memref<1x1x128xi32, #tpu.memory_space<vmem>> -> memref<128xi32, #tpu.memory_space<vmem>>
      %dma_wait3A_159 = arith.constant 0 : i32
      %dma_wait3A_160 = arith.constant 0 : i32
      %dma_wait3A_161 = tpu.memref_slice %arg11[%dma_wait3A_159, %dma_wait3A_160] : memref<10112x128xf32, #tpu.memory_space<vmem_shared>> -> memref<10112x128xf32, #tpu.memory_space<vmem_shared>>
      tpu.wait_indirect_dma semaphore(%arg20 : memref<!tpu.dma_semaphore, #tpu.memory_space<semaphore_mem>>) src(%dma_wait3A_155 : memref<128x128xf32, #tpu.memory_space<vmem>>) dst(%dma_wait3A_161 : memref<10112x128xf32, #tpu.memory_space<vmem_shared>>)
      %dma_wait3A_162 = arith.constant 0 : i32
      %dma_wait3A_163 = arith.constant 0 : i32
      %dma_wait3A_164 = tpu.memref_slice %arg13[%rem3A_20, %dma_wait3A_162, %dma_wait3A_163] : memref<2x2x128xi32, #tpu.memory_space<vmem>> -> memref<1x1x128xi32, #tpu.memory_space<vmem>>
      %dma_wait3A_165 = tpu.memref_squeeze %dma_wait3A_164 : memref<1x1x128xi32, #tpu.memory_space<vmem>> -> memref<128xi32, #tpu.memory_space<vmem>>
      %dma_wait3A_166 = arith.constant 0 : i32
      %dma_wait3A_167 = tpu.memref_slice %arg15[%dma_wait3A_166] : memref<10112xf32, #tpu.memory_space<vmem_shared>> -> memref<10112xf32, #tpu.memory_space<vmem_shared>>
      tpu.wait_indirect_dma semaphore(%arg20 : memref<!tpu.dma_semaphore, #tpu.memory_space<semaphore_mem>>) src(%arg17 : memref<128xf32, #tpu.memory_space<vmem>>) dst(%dma_wait3A_167 : memref<10112xf32, #tpu.memory_space<vmem_shared>>)
      %dma_wait3A_168 = arith.constant 0 : i32
      %dma_wait3A_169 = arith.constant 0 : i32
      %dma_wait3A_170 = tpu.memref_slice %arg12[%rem3A_20, %dma_wait3A_168, %dma_wait3A_169] : memref<2x2x128xi32, #tpu.memory_space<vmem>> -> memref<1x1x128xi32, #tpu.memory_space<vmem>>
      %dma_wait3A_171 = tpu.memref_squeeze %dma_wait3A_170 : memref<1x1x128xi32, #tpu.memory_space<vmem>> -> memref<128xi32, #tpu.memory_space<vmem>>
      %dma_wait3A_172 = arith.constant 0 : i32
      %dma_wait3A_173 = tpu.memref_slice %arg16[%dma_wait3A_172] : memref<10112xf32, #tpu.memory_space<vmem_shared>> -> memref<10112xf32, #tpu.memory_space<vmem_shared>>
      tpu.wait_indirect_dma semaphore(%arg20 : memref<!tpu.dma_semaphore, #tpu.memory_space<semaphore_mem>>) src(%arg17 : memref<128xf32, #tpu.memory_space<vmem>>) dst(%dma_wait3A_173 : memref<10112xf32, #tpu.memory_space<vmem_shared>>)
      %dma_wait3A_174 = arith.constant 1 : i32
      %dma_wait3A_175 = arith.constant 1 : i32
      %dma_wait3A_176 = arith.constant 0 : i32
      %dma_wait3A_177 = arith.constant 0 : i32
      %dma_wait3A_178 = tpu.memref_slice %arg14[%dma_wait3A_174, %dma_wait3A_176, %dma_wait3A_177] : memref<2x128x128xf32, #tpu.memory_space<vmem>> -> memref<1x128x128xf32, #tpu.memory_space<vmem>>
      %dma_wait3A_179 = tpu.memref_squeeze %dma_wait3A_178 : memref<1x128x128xf32, #tpu.memory_space<vmem>> -> memref<128x128xf32, #tpu.memory_space<vmem>>
      %dma_wait3A_180 = arith.constant 0 : i32
      %dma_wait3A_181 = tpu.memref_slice %arg13[%rem3A_20, %dma_wait3A_175, %dma_wait3A_180] : memref<2x2x128xi32, #tpu.memory_space<vmem>> -> memref<1x1x128xi32, #tpu.memory_space<vmem>>
      %dma_wait3A_182 = tpu.memref_squeeze %dma_wait3A_181 : memref<1x1x128xi32, #tpu.memory_space<vmem>> -> memref<128xi32, #tpu.memory_space<vmem>>
      %dma_wait3A_183 = arith.constant 0 : i32
      %dma_wait3A_184 = arith.constant 0 : i32
      %dma_wait3A_185 = tpu.memref_slice %arg11[%dma_wait3A_183, %dma_wait3A_184] : memref<10112x128xf32, #tpu.memory_space<vmem_shared>> -> memref<10112x128xf32, #tpu.memory_space<vmem_shared>>
      tpu.wait_indirect_dma semaphore(%arg21 : memref<!tpu.dma_semaphore, #tpu.memory_space<semaphore_mem>>) src(%dma_wait3A_179 : memref<128x128xf32, #tpu.memory_space<vmem>>) dst(%dma_wait3A_185 : memref<10112x128xf32, #tpu.memory_space<vmem_shared>>)
      %dma_wait3A_186 = arith.constant 1 : i32
      %dma_wait3A_187 = arith.constant 0 : i32
      %dma_wait3A_188 = tpu.memref_slice %arg13[%rem3A_20, %dma_wait3A_186, %dma_wait3A_187] : memref<2x2x128xi32, #tpu.memory_space<vmem>> -> memref<1x1x128xi32, #tpu.memory_space<vmem>>
      %dma_wait3A_189 = tpu.memref_squeeze %dma_wait3A_188 : memref<1x1x128xi32, #tpu.memory_space<vmem>> -> memref<128xi32, #tpu.memory_space<vmem>>
      %dma_wait3A_190 = arith.constant 0 : i32
      %dma_wait3A_191 = tpu.memref_slice %arg15[%dma_wait3A_190] : memref<10112xf32, #tpu.memory_space<vmem_shared>> -> memref<10112xf32, #tpu.memory_space<vmem_shared>>
      tpu.wait_indirect_dma semaphore(%arg21 : memref<!tpu.dma_semaphore, #tpu.memory_space<semaphore_mem>>) src(%arg17 : memref<128xf32, #tpu.memory_space<vmem>>) dst(%dma_wait3A_191 : memref<10112xf32, #tpu.memory_space<vmem_shared>>)
      %dma_wait3A_192 = arith.constant 1 : i32
      %dma_wait3A_193 = arith.constant 0 : i32
      %dma_wait3A_194 = tpu.memref_slice %arg12[%rem3A_20, %dma_wait3A_192, %dma_wait3A_193] : memref<2x2x128xi32, #tpu.memory_space<vmem>> -> memref<1x1x128xi32, #tpu.memory_space<vmem>>
      %dma_wait3A_195 = tpu.memref_squeeze %dma_wait3A_194 : memref<1x1x128xi32, #tpu.memory_space<vmem>> -> memref<128xi32, #tpu.memory_space<vmem>>
      %dma_wait3A_196 = arith.constant 0 : i32
      %dma_wait3A_197 = tpu.memref_slice %arg16[%dma_wait3A_196] : memref<10112xf32, #tpu.memory_space<vmem_shared>> -> memref<10112xf32, #tpu.memory_space<vmem_shared>>
      tpu.wait_indirect_dma semaphore(%arg21 : memref<!tpu.dma_semaphore, #tpu.memory_space<semaphore_mem>>) src(%arg17 : memref<128xf32, #tpu.memory_space<vmem>>) dst(%dma_wait3A_197 : memref<10112xf32, #tpu.memory_space<vmem_shared>>)
      %dma_wait3A_198 = arith.constant 0 : i32
      %dma_wait3A_199 = arith.constant 0 : i32
      %dma_wait3A_200 = tpu.memref_slice %arg12[%sub3A_21, %dma_wait3A_198, %dma_wait3A_199] : memref<2x2x128xi32, #tpu.memory_space<vmem>> -> memref<1x2x128xi32, #tpu.memory_space<vmem>>
      %dma_wait3A_201 = tpu.memref_squeeze %dma_wait3A_200 : memref<1x2x128xi32, #tpu.memory_space<vmem>> -> memref<2x128xi32, #tpu.memory_space<vmem>>
      %dma_wait3A_202 = arith.constant 0 : i32
      %dma_wait3A_203 = tpu.memref_slice %arg3[%arg0, %arg1, %mul3A_48, %dma_wait3A_202] : memref<2x16x80x128xi32, #tpu.memory_space<hbm>> -> memref<1x1x2x128xi32, #tpu.memory_space<hbm>>
      %dma_wait3A_204 = tpu.memref_squeeze %dma_wait3A_203 : memref<1x1x2x128xi32, #tpu.memory_space<hbm>> -> memref<2x128xi32, #tpu.memory_space<hbm>>
      %dma_wait3A_205 = arith.constant 0 : i32
      %dma_wait3A_206 = arith.constant 0 : i32
      %dma_wait3A_207 = tpu.memref_slice %arg12[%sub3A_21, %dma_wait3A_205, %dma_wait3A_206] : memref<2x2x128xi32, #tpu.memory_space<vmem>> -> memref<1x2x128xi32, #tpu.memory_space<vmem>>
      %dma_wait3A_208 = tpu.memref_squeeze %dma_wait3A_207 : memref<1x2x128xi32, #tpu.memory_space<vmem>> -> memref<2x128xi32, #tpu.memory_space<vmem>>
      %dma_wait3A_209 = arith.constant 0 : i32
      %dma_wait3A_210 = tpu.memref_slice %arg3[%arg0, %arg1, %mul3A_48, %dma_wait3A_209] : memref<2x16x80x128xi32, #tpu.memory_space<hbm>> -> memref<1x1x2x128xi32, #tpu.memory_space<hbm>>
      %dma_wait3A_211 = tpu.memref_squeeze %dma_wait3A_210 : memref<1x1x2x128xi32, #tpu.memory_space<hbm>> -> memref<2x128xi32, #tpu.memory_space<hbm>>
      tpu.wait_dma2 semaphore(%arg22 : memref<!tpu.dma_semaphore, #tpu.memory_space<semaphore_mem>>) src(%dma_wait3A_211 : memref<2x128xi32, #tpu.memory_space<hbm>>) dst(%dma_wait3A_208 : memref<2x128xi32, #tpu.memory_space<vmem>>)
      %dma_wait3A_212 = arith.constant 0 : i32
      %dma_wait3A_213 = arith.constant 0 : i32
      %dma_wait3A_214 = tpu.memref_slice %arg13[%sub3A_21, %dma_wait3A_212, %dma_wait3A_213] : memref<2x2x128xi32, #tpu.memory_space<vmem>> -> memref<1x2x128xi32, #tpu.memory_space<vmem>>
      %dma_wait3A_215 = tpu.memref_squeeze %dma_wait3A_214 : memref<1x2x128xi32, #tpu.memory_space<vmem>> -> memref<2x128xi32, #tpu.memory_space<vmem>>
      %dma_wait3A_216 = arith.constant 0 : i32
      %dma_wait3A_217 = tpu.memref_slice %arg4[%arg0, %arg1, %mul3A_64, %dma_wait3A_216] : memref<2x16x80x128xi32, #tpu.memory_space<hbm>> -> memref<1x1x2x128xi32, #tpu.memory_space<hbm>>
      %dma_wait3A_218 = tpu.memref_squeeze %dma_wait3A_217 : memref<1x1x2x128xi32, #tpu.memory_space<hbm>> -> memref<2x128xi32, #tpu.memory_space<hbm>>
      %dma_wait3A_219 = arith.constant 0 : i32
      %dma_wait3A_220 = arith.constant 0 : i32
      %dma_wait3A_221 = tpu.memref_slice %arg13[%sub3A_21, %dma_wait3A_219, %dma_wait3A_220] : memref<2x2x128xi32, #tpu.memory_space<vmem>> -> memref<1x2x128xi32, #tpu.memory_space<vmem>>
      %dma_wait3A_222 = tpu.memref_squeeze %dma_wait3A_221 : memref<1x2x128xi32, #tpu.memory_space<vmem>> -> memref<2x128xi32, #tpu.memory_space<vmem>>
      %dma_wait3A_223 = arith.constant 0 : i32
      %dma_wait3A_224 = tpu.memref_slice %arg4[%arg0, %arg1, %mul3A_64, %dma_wait3A_223] : memref<2x16x80x128xi32, #tpu.memory_space<hbm>> -> memref<1x1x2x128xi32, #tpu.memory_space<hbm>>
      %dma_wait3A_225 = tpu.memref_squeeze %dma_wait3A_224 : memref<1x1x2x128xi32, #tpu.memory_space<hbm>> -> memref<2x128xi32, #tpu.memory_space<hbm>>
      tpu.wait_dma2 semaphore(%arg22 : memref<!tpu.dma_semaphore, #tpu.memory_space<semaphore_mem>>) src(%dma_wait3A_225 : memref<2x128xi32, #tpu.memory_space<hbm>>) dst(%dma_wait3A_222 : memref<2x128xi32, #tpu.memory_space<vmem>>)
    }
    %scan3A_8 = arith.constant 40 : i32
    %barrier3A_9 = arith.constant 0 : index
    tpu.barrier barrier_id(%barrier3A_9)
    %mul3A_10 = arith.constant 632 : i32
    %mul3A_11 = arith.muli %arg1, %mul3A_10 : i32
    %mul3A_12 = arith.constant 632 : i32
    %mul3A_13 = arith.muli %arg1, %mul3A_12 : i32
    "tpu.region"() ({
      %run_scoped3A_19 = tpu.sem_alloc : memref<!tpu.dma_semaphore, #tpu.memory_space<semaphore_mem>>
      %dma_start3A = arith.constant 0 : i32
      %dma_start3A_20 = tpu.memref_slice %arg8[%arg0, %mul3A_13, %dma_start3A] : memref<2x10112x128xf32, #tpu.memory_space<hbm>> -> memref<1x632x128xf32, #tpu.memory_space<hbm>>
      %dma_start3A_21 = tpu.memref_squeeze %dma_start3A_20 : memref<1x632x128xf32, #tpu.memory_space<hbm>> -> memref<632x128xf32, #tpu.memory_space<hbm>>
      %dma_start3A_22 = arith.constant 0 : i32
      %dma_start3A_23 = tpu.memref_slice %arg11[%mul3A_11, %dma_start3A_22] : memref<10112x128xf32, #tpu.memory_space<vmem_shared>> -> memref<632x128xf32, #tpu.memory_space<vmem_shared>>
      tpu.enqueue_dma source(%dma_start3A_23 : memref<632x128xf32, #tpu.memory_space<vmem_shared>>) target(%dma_start3A_21 : memref<632x128xf32, #tpu.memory_space<hbm>>) target_semaphore(%run_scoped3A_19 : memref<!tpu.dma_semaphore, #tpu.memory_space<semaphore_mem>>)
      %dma_wait3A = arith.constant 0 : i32
      %dma_wait3A_24 = tpu.memref_slice %arg8[%arg0, %mul3A_13, %dma_wait3A] : memref<2x10112x128xf32, #tpu.memory_space<hbm>> -> memref<1x632x128xf32, #tpu.memory_space<hbm>>
      %dma_wait3A_25 = tpu.memref_squeeze %dma_wait3A_24 : memref<1x632x128xf32, #tpu.memory_space<hbm>> -> memref<632x128xf32, #tpu.memory_space<hbm>>
      %dma_wait3A_26 = arith.constant 0 : i32
      %dma_wait3A_27 = tpu.memref_slice %arg11[%mul3A_11, %dma_wait3A_26] : memref<10112x128xf32, #tpu.memory_space<vmem_shared>> -> memref<632x128xf32, #tpu.memory_space<vmem_shared>>
      tpu.wait_dma2 semaphore(%run_scoped3A_19 : memref<!tpu.dma_semaphore, #tpu.memory_space<semaphore_mem>>) src(%dma_wait3A_27 : memref<632x128xf32, #tpu.memory_space<vmem_shared>>) dst(%dma_wait3A_25 : memref<632x128xf32, #tpu.memory_space<hbm>>)
      tpu.yield
    }) : () -> ()
    %eq3A_14 = arith.constant 0 : i32
    %eq3A_15 = arith.cmpi eq, %arg1, %eq3A_14 : i32
    %convert_element_type3A_16 = arith.extui %eq3A_15 : i1 to i32
    %cond3A_17 = arith.constant 0 : i32
    %cond3A_18 = arith.cmpi ne, %convert_element_type3A_16, %cond3A_17 : i32
    scf.if %cond3A_18 {
      "tpu.region"() ({
        %run_scoped3A_19 = tpu.sem_alloc : memref<!tpu.dma_semaphore, #tpu.memory_space<semaphore_mem>>
        %dma_start3A = arith.constant 0 : i32
        %dma_start3A_20 = tpu.memref_slice %arg9[%arg0, %dma_start3A] : memref<2x10112xf32, #tpu.memory_space<hbm>> -> memref<1x10112xf32, #tpu.memory_space<hbm>>
        %dma_start3A_21 = tpu.memref_squeeze %dma_start3A_20 : memref<1x10112xf32, #tpu.memory_space<hbm>> -> memref<10112xf32, #tpu.memory_space<hbm>>
        tpu.enqueue_dma source(%arg15 : memref<10112xf32, #tpu.memory_space<vmem_shared>>) target(%dma_start3A_21 : memref<10112xf32, #tpu.memory_space<hbm>>) target_semaphore(%run_scoped3A_19 : memref<!tpu.dma_semaphore, #tpu.memory_space<semaphore_mem>>)
        %dma_wait3A = arith.constant 0 : i32
        %dma_wait3A_22 = tpu.memref_slice %arg9[%arg0, %dma_wait3A] : memref<2x10112xf32, #tpu.memory_space<hbm>> -> memref<1x10112xf32, #tpu.memory_space<hbm>>
        %dma_wait3A_23 = tpu.memref_squeeze %dma_wait3A_22 : memref<1x10112xf32, #tpu.memory_space<hbm>> -> memref<10112xf32, #tpu.memory_space<hbm>>
        tpu.wait_dma2 semaphore(%run_scoped3A_19 : memref<!tpu.dma_semaphore, #tpu.memory_space<semaphore_mem>>) src(%arg15 : memref<10112xf32, #tpu.memory_space<vmem_shared>>) dst(%dma_wait3A_23 : memref<10112xf32, #tpu.memory_space<hbm>>)
        tpu.yield
      }) : () -> ()
      "tpu.region"() ({
        %run_scoped3A_19 = tpu.sem_alloc : memref<!tpu.dma_semaphore, #tpu.memory_space<semaphore_mem>>
        %dma_start3A = arith.constant 0 : i32
        %dma_start3A_20 = tpu.memref_slice %arg10[%arg0, %dma_start3A] : memref<2x10112xf32, #tpu.memory_space<hbm>> -> memref<1x10112xf32, #tpu.memory_space<hbm>>
        %dma_start3A_21 = tpu.memref_squeeze %dma_start3A_20 : memref<1x10112xf32, #tpu.memory_space<hbm>> -> memref<10112xf32, #tpu.memory_space<hbm>>
        tpu.enqueue_dma source(%arg16 : memref<10112xf32, #tpu.memory_space<vmem_shared>>) target(%dma_start3A_21 : memref<10112xf32, #tpu.memory_space<hbm>>) target_semaphore(%run_scoped3A_19 : memref<!tpu.dma_semaphore, #tpu.memory_space<semaphore_mem>>)
        %dma_wait3A = arith.constant 0 : i32
        %dma_wait3A_22 = tpu.memref_slice %arg10[%arg0, %dma_wait3A] : memref<2x10112xf32, #tpu.memory_space<hbm>> -> memref<1x10112xf32, #tpu.memory_space<hbm>>
        %dma_wait3A_23 = tpu.memref_squeeze %dma_wait3A_22 : memref<1x10112xf32, #tpu.memory_space<hbm>> -> memref<10112xf32, #tpu.memory_space<hbm>>
        tpu.wait_dma2 semaphore(%run_scoped3A_19 : memref<!tpu.dma_semaphore, #tpu.memory_space<semaphore_mem>>) src(%arg16 : memref<10112xf32, #tpu.memory_space<vmem_shared>>) dst(%dma_wait3A_23 : memref<10112xf32, #tpu.memory_space<hbm>>)
        tpu.yield
      }) : () -> ()
    } else {
    }
    return
  }
}

module attributes {stable_mosaic.version = 14 : i64} {
  func.func @_tc1_body(%arg0: i32, %arg1: memref<1000x128xf32, #tpu.memory_space<vmem>>, %arg2: memref<1000x1xf32, #tpu.memory_space<vmem>>, %arg3: memref<128x128xf32, #tpu.memory_space<vmem>>, %arg4: memref<1x128xf32, #tpu.memory_space<vmem>>, %arg5: memref<128x128xf32, #tpu.memory_space<vmem>>, %arg6: memref<1000x128xf32, #tpu.memory_space<vmem>>, %arg7: memref<1000x128xf32, #tpu.memory_space<vmem>>) attributes {dimension_semantics = [#tpu.dimension_semantics<arbitrary>], iteration_bounds = array<i64: 10>, scalar_prefetch = 0 : i64, scratch_operands = 0 : i64, tpu.core_type = #tpu.core_type<tc>, window_params = [{transform_indices = @transform_0, window_bounds = array<i64: 1000, 128>}, {transform_indices = @transform_1, window_bounds = array<i64: 1000, 1>}, {pipeline_mode = #tpu.pipeline_mode<synchronous>, transform_indices = @transform_2, window_bounds = array<i64: 128, 128>}, {pipeline_mode = #tpu.pipeline_mode<synchronous>, transform_indices = @transform_3, window_bounds = array<i64: 1, 128>}, {pipeline_mode = #tpu.pipeline_mode<synchronous>, transform_indices = @transform_4, window_bounds = array<i64: 128, 128>}, {transform_indices = @transform_5, window_bounds = array<i64: 1000, 128>}, {transform_indices = @transform_6, window_bounds = array<i64: 1000, 128>}]} {
    %get3A = arith.constant 0 : index
    %get3A_0 = arith.constant 0 : index
    %get3A_1 = vector.load %arg1[%get3A, %get3A_0] : memref<1000x128xf32, #tpu.memory_space<vmem>>, vector<1000x128xf32>
    %get3A_2 = arith.constant 0 : index
    %get3A_3 = arith.constant 0 : index
    %get3A_4 = vector.load %arg3[%get3A_2, %get3A_3] : memref<128x128xf32, #tpu.memory_space<vmem>>, vector<128x128xf32>
    %dot_general3A = arith.constant dense<0.000000e+00> : vector<1000x128xf32>
    %dot_general3A_5 = tpu.matmul %get3A_1, %get3A_4, %dot_general3A {dimension_numbers = #tpu.dot_dimension_numbers<[1], [0], [0], [1], [0, 0, 1, 1], [], []>, transpose_lhs_hint = false} : vector<1000x128xf32>, vector<128x128xf32>, vector<1000x128xf32> -> vector<1000x128xf32>
    %get3A_6 = arith.constant 0 : index
    %get3A_7 = arith.constant 0 : index
    %get3A_8 = vector.load %arg4[%get3A_6, %get3A_7] : memref<1x128xf32, #tpu.memory_space<vmem>>, vector<1x128xf32>
    %add3A = vector.broadcast %get3A_8 : vector<1x128xf32> to vector<1000x128xf32>
    %add3A_9 = arith.addf %dot_general3A_5, %add3A : vector<1000x128xf32>
    %max3A = arith.constant 0.000000e+00 : f32
    %max3A_10 = vector.broadcast %max3A : f32 to vector<1000x128xf32>
    %max3A_11 = arith.maximumf %add3A_9, %max3A_10 : vector<1000x128xf32>
    %swap3A = arith.constant 0 : index
    %swap3A_12 = arith.constant 0 : index
    %swap3A_13 = vector.load %arg6[%swap3A, %swap3A_12] : memref<1000x128xf32, #tpu.memory_space<vmem>>, vector<1000x128xf32>
    tpu.vector_store %arg6[%swap3A, %swap3A_12], %max3A_11 {strides = array<i32>} : memref<1000x128xf32, #tpu.memory_space<vmem>>, vector<1000x128xf32>,
    %get3A_14 = arith.constant 0 : index
    %get3A_15 = arith.constant 0 : index
    %get3A_16 = vector.load %arg2[%get3A_14, %get3A_15] : memref<1000x1xf32, #tpu.memory_space<vmem>>, vector<1000x1xf32>
    %mul3A = vector.broadcast %get3A_16 : vector<1000x1xf32> to vector<1000x128xf32>
    %mul3A_17 = arith.mulf %mul3A, %max3A_11 : vector<1000x128xf32>
    %get3A_18 = arith.constant 0 : index
    %get3A_19 = arith.constant 0 : index
    %get3A_20 = vector.load %arg5[%get3A_18, %get3A_19] : memref<128x128xf32, #tpu.memory_space<vmem>>, vector<128x128xf32>
    %dot_general3A_21 = arith.constant dense<0.000000e+00> : vector<1000x128xf32>
    %dot_general3A_22 = tpu.matmul %mul3A_17, %get3A_20, %dot_general3A_21 {dimension_numbers = #tpu.dot_dimension_numbers<[1], [0], [0], [1], [0, 0, 1, 1], [], []>, transpose_lhs_hint = false} : vector<1000x128xf32>, vector<128x128xf32>, vector<1000x128xf32> -> vector<1000x128xf32>
    %swap3A_23 = arith.constant 0 : index
    %swap3A_24 = arith.constant 0 : index
    %swap3A_25 = vector.load %arg7[%swap3A_23, %swap3A_24] : memref<1000x128xf32, #tpu.memory_space<vmem>>, vector<1000x128xf32>
    tpu.vector_store %arg7[%swap3A_23, %swap3A_24], %dot_general3A_22 {strides = array<i32>} : memref<1000x128xf32, #tpu.memory_space<vmem>>, vector<1000x128xf32>,
    return
  }
  func.func @transform_0(%arg0: i32) -> (i32, i32) {
    %c0_i32 = arith.constant 0 : i32
    %c0_i32_0 = arith.constant 0 : i32
    return %arg0, %c0_i32 : i32, i32
  }
  func.func @transform_1(%arg0: i32) -> (i32, i32) {
    %c0_i32 = arith.constant 0 : i32
    %c0_i32_0 = arith.constant 0 : i32
    return %arg0, %c0_i32 : i32, i32
  }
  func.func @transform_2(%arg0: i32) -> (i32, i32) {
    %c0_i32 = arith.constant 0 : i32
    %c0_i32_0 = arith.constant 0 : i32
    %c0_i32_1 = arith.constant 0 : i32
    return %c0_i32, %c0_i32_0 : i32, i32
  }
  func.func @transform_3(%arg0: i32) -> (i32, i32) {
    %c0_i32 = arith.constant 0 : i32
    %c0_i32_0 = arith.constant 0 : i32
    %c0_i32_1 = arith.constant 0 : i32
    return %c0_i32, %c0_i32_0 : i32, i32
  }
  func.func @transform_4(%arg0: i32) -> (i32, i32) {
    %c0_i32 = arith.constant 0 : i32
    %c0_i32_0 = arith.constant 0 : i32
    %c0_i32_1 = arith.constant 0 : i32
    return %c0_i32, %c0_i32_0 : i32, i32
  }
  func.func @transform_5(%arg0: i32) -> (i32, i32) {
    %c0_i32 = arith.constant 0 : i32
    %c0_i32_0 = arith.constant 0 : i32
    return %arg0, %c0_i32 : i32, i32
  }
  func.func @transform_6(%arg0: i32) -> (i32, i32) {
    %c0_i32 = arith.constant 0 : i32
    %c0_i32_0 = arith.constant 0 : i32
    return %arg0, %c0_i32 : i32, i32
  }
}

module attributes {stable_mosaic.version = 14 : i64} {
  func.func @_tc2_body(%arg0: i32, %arg1: memref<2x1000x128xf32, #tpu.memory_space<vmem>>, %arg2: memref<2x1000x1xf32, #tpu.memory_space<vmem>>, %arg3: memref<1000x128xf32, #tpu.memory_space<vmem>>) attributes {dimension_semantics = [#tpu.dimension_semantics<arbitrary>], iteration_bounds = array<i64: 10>, scalar_prefetch = 0 : i64, scratch_operands = 0 : i64, tpu.core_type = #tpu.core_type<tc>, window_params = [{transform_indices = @transform_0, window_bounds = array<i64: 2, 1000, 128>}, {transform_indices = @transform_1, window_bounds = array<i64: 2, 1000, 1>}, {transform_indices = @transform_2, window_bounds = array<i64: 1000, 128>}]} {
    %get3A = arith.constant 0 : index
    %get3A_0 = arith.constant 0 : index
    %get3A_1 = arith.constant 0 : index
    %get3A_2 = vector.load %arg1[%get3A, %get3A_0, %get3A_1] : memref<2x1000x128xf32, #tpu.memory_space<vmem>>, vector<1x1000x128xf32>
    %get3A_3 = vector.shape_cast %get3A_2 : vector<1x1000x128xf32> to vector<1000x128xf32>
    %get3A_4 = arith.constant 1 : index
    %get3A_5 = arith.constant 0 : index
    %get3A_6 = arith.constant 0 : index
    %get3A_7 = vector.load %arg1[%get3A_4, %get3A_5, %get3A_6] : memref<2x1000x128xf32, #tpu.memory_space<vmem>>, vector<1x1000x128xf32>
    %get3A_8 = vector.shape_cast %get3A_7 : vector<1x1000x128xf32> to vector<1000x128xf32>
    %add3A = arith.addf %get3A_3, %get3A_8 : vector<1000x128xf32>
    %get3A_9 = arith.constant 0 : index
    %get3A_10 = arith.constant 0 : index
    %get3A_11 = arith.constant 0 : index
    %get3A_12 = vector.load %arg2[%get3A_9, %get3A_10, %get3A_11] : memref<2x1000x1xf32, #tpu.memory_space<vmem>>, vector<1x1000x1xf32>
    %get3A_13 = vector.shape_cast %get3A_12 : vector<1x1000x1xf32> to vector<1000x1xf32>
    %get3A_14 = arith.constant 1 : index
    %get3A_15 = arith.constant 0 : index
    %get3A_16 = arith.constant 0 : index
    %get3A_17 = vector.load %arg2[%get3A_14, %get3A_15, %get3A_16] : memref<2x1000x1xf32, #tpu.memory_space<vmem>>, vector<1x1000x1xf32>
    %get3A_18 = vector.shape_cast %get3A_17 : vector<1x1000x1xf32> to vector<1000x1xf32>
    %add3A_19 = arith.addf %get3A_13, %get3A_18 : vector<1000x1xf32>
    %gt3A = arith.constant 0.000000e+00 : f32
    %gt3A_20 = vector.broadcast %gt3A : f32 to vector<1000x1xf32>
    %gt3A_21 = arith.cmpf ogt, %add3A_19, %gt3A_20 : vector<1000x1xf32>
    %max3A = arith.constant 1.000000e+00 : f32
    %max3A_22 = vector.broadcast %max3A : f32 to vector<1000x1xf32>
    %max3A_23 = arith.maximumf %add3A_19, %max3A_22 : vector<1000x1xf32>
    %div3A = arith.constant 1.000000e+00 : f32
    %div3A_24 = vector.broadcast %div3A : f32 to vector<1000x1xf32>
    %div3A_25 = arith.divf %div3A_24, %max3A_23 : vector<1000x1xf32>
    %jit3A = arith.constant 0.000000e+00 : f32
    %broadcast_in_dim3A = vector.broadcast %jit3A : f32 to vector<1000x1xf32>
    %select_n3A = arith.select %gt3A_21, %div3A_25, %broadcast_in_dim3A : vector<1000x1xi1>, vector<1000x1xf32>
    %mul3A = vector.broadcast %select_n3A : vector<1000x1xf32> to vector<1000x128xf32>
    %mul3A_26 = arith.mulf %mul3A, %add3A : vector<1000x128xf32>
    %swap3A = arith.constant 0 : index
    %swap3A_27 = arith.constant 0 : index
    %swap3A_28 = vector.load %arg3[%swap3A, %swap3A_27] : memref<1000x128xf32, #tpu.memory_space<vmem>>, vector<1000x128xf32>
    tpu.vector_store %arg3[%swap3A, %swap3A_27], %mul3A_26 {strides = array<i32>} : memref<1000x128xf32, #tpu.memory_space<vmem>>, vector<1000x128xf32>,
    return
  }
  func.func @transform_0(%arg0: i32) -> (i32, i32, i32) {
    %c0_i32 = arith.constant 0 : i32
    %c0_i32_0 = arith.constant 0 : i32
    %c0_i32_1 = arith.constant 0 : i32
    return %c0_i32, %arg0, %c0_i32_0 : i32, i32, i32
  }
  func.func @transform_1(%arg0: i32) -> (i32, i32, i32) {
    %c0_i32 = arith.constant 0 : i32
    %c0_i32_0 = arith.constant 0 : i32
    %c0_i32_1 = arith.constant 0 : i32
    return %c0_i32, %arg0, %c0_i32_0 : i32, i32, i32
  }
  func.func @transform_2(%arg0: i32) -> (i32, i32) {
    %c0_i32 = arith.constant 0 : i32
    %c0_i32_0 = arith.constant 0 : i32
    return %arg0, %c0_i32 : i32, i32
  }
}

module attributes {stable_mosaic.version = 14 : i64} {
  func.func @_tc3_body(%arg0: i32, %arg1: memref<2x1000x128xf32, #tpu.memory_space<vmem>>, %arg2: memref<2x1000x1xf32, #tpu.memory_space<vmem>>, %arg3: memref<1000x128xf32, #tpu.memory_space<vmem>>, %arg4: memref<1x128xf32, #tpu.memory_space<vmem>>, %arg5: memref<128x256xf32, #tpu.memory_space<vmem>>, %arg6: memref<128x256xf32, #tpu.memory_space<vmem>>, %arg7: memref<1x256xf32, #tpu.memory_space<vmem>>, %arg8: memref<128x256xf32, #tpu.memory_space<vmem>>, %arg9: memref<128x256xf32, #tpu.memory_space<vmem>>, %arg10: memref<1x256xf32, #tpu.memory_space<vmem>>, %arg11: memref<256x1xf32, #tpu.memory_space<vmem>>, %arg12: memref<1x1xf32, #tpu.memory_space<vmem>>, %arg13: memref<256x1xf32, #tpu.memory_space<vmem>>, %arg14: memref<1x1xf32, #tpu.memory_space<vmem>>, %arg15: memref<1000x1xf32, #tpu.memory_space<vmem>>, %arg16: memref<1000x1xf32, #tpu.memory_space<vmem>>) attributes {dimension_semantics = [#tpu.dimension_semantics<arbitrary>], iteration_bounds = array<i64: 10>, scalar_prefetch = 0 : i64, scratch_operands = 0 : i64, tpu.core_type = #tpu.core_type<tc>, window_params = [{transform_indices = @transform_0, window_bounds = array<i64: 2, 1000, 128>}, {transform_indices = @transform_1, window_bounds = array<i64: 2, 1000, 1>}, {transform_indices = @transform_2, window_bounds = array<i64: 1000, 128>}, {pipeline_mode = #tpu.pipeline_mode<synchronous>, transform_indices = @transform_3, window_bounds = array<i64: 1, 128>}, {pipeline_mode = #tpu.pipeline_mode<synchronous>, transform_indices = @transform_4, window_bounds = array<i64: 128, 256>}, {pipeline_mode = #tpu.pipeline_mode<synchronous>, transform_indices = @transform_5, window_bounds = array<i64: 128, 256>}, {pipeline_mode = #tpu.pipeline_mode<synchronous>, transform_indices = @transform_6, window_bounds = array<i64: 1, 256>}, {pipeline_mode = #tpu.pipeline_mode<synchronous>, transform_indices = @transform_7, window_bounds = array<i64: 128, 256>}, {pipeline_mode = #tpu.pipeline_mode<synchronous>, transform_indices = @transform_8, window_bounds = array<i64: 128, 256>}, {pipeline_mode = #tpu.pipeline_mode<synchronous>, transform_indices = @transform_9, window_bounds = array<i64: 1, 256>}, {pipeline_mode = #tpu.pipeline_mode<synchronous>, transform_indices = @transform_10, window_bounds = array<i64: 256, 1>}, {pipeline_mode = #tpu.pipeline_mode<synchronous>, transform_indices = @transform_11, window_bounds = array<i64: 1, 1>}, {pipeline_mode = #tpu.pipeline_mode<synchronous>, transform_indices = @transform_12, window_bounds = array<i64: 256, 1>}, {pipeline_mode = #tpu.pipeline_mode<synchronous>, transform_indices = @transform_13, window_bounds = array<i64: 1, 1>}, {transform_indices = @transform_14, window_bounds = array<i64: 1000, 1>}, {transform_indices = @transform_15, window_bounds = array<i64: 1000, 1>}]} {
    %get3A = arith.constant 0 : index
    %get3A_0 = arith.constant 0 : index
    %get3A_1 = arith.constant 0 : index
    %get3A_2 = vector.load %arg1[%get3A, %get3A_0, %get3A_1] : memref<2x1000x128xf32, #tpu.memory_space<vmem>>, vector<1x1000x128xf32>
    %get3A_3 = vector.shape_cast %get3A_2 : vector<1x1000x128xf32> to vector<1000x128xf32>
    %get3A_4 = arith.constant 1 : index
    %get3A_5 = arith.constant 0 : index
    %get3A_6 = arith.constant 0 : index
    %get3A_7 = vector.load %arg1[%get3A_4, %get3A_5, %get3A_6] : memref<2x1000x128xf32, #tpu.memory_space<vmem>>, vector<1x1000x128xf32>
    %get3A_8 = vector.shape_cast %get3A_7 : vector<1x1000x128xf32> to vector<1000x128xf32>
    %add3A = arith.addf %get3A_3, %get3A_8 : vector<1000x128xf32>
    %get3A_9 = arith.constant 0 : index
    %get3A_10 = arith.constant 0 : index
    %get3A_11 = arith.constant 0 : index
    %get3A_12 = vector.load %arg2[%get3A_9, %get3A_10, %get3A_11] : memref<2x1000x1xf32, #tpu.memory_space<vmem>>, vector<1x1000x1xf32>
    %get3A_13 = vector.shape_cast %get3A_12 : vector<1x1000x1xf32> to vector<1000x1xf32>
    %get3A_14 = arith.constant 1 : index
    %get3A_15 = arith.constant 0 : index
    %get3A_16 = arith.constant 0 : index
    %get3A_17 = vector.load %arg2[%get3A_14, %get3A_15, %get3A_16] : memref<2x1000x1xf32, #tpu.memory_space<vmem>>, vector<1x1000x1xf32>
    %get3A_18 = vector.shape_cast %get3A_17 : vector<1x1000x1xf32> to vector<1000x1xf32>
    %add3A_19 = arith.addf %get3A_13, %get3A_18 : vector<1000x1xf32>
    %gt3A = arith.constant 0.000000e+00 : f32
    %gt3A_20 = vector.broadcast %gt3A : f32 to vector<1000x1xf32>
    %gt3A_21 = arith.cmpf ogt, %add3A_19, %gt3A_20 : vector<1000x1xf32>
    %max3A = arith.constant 1.000000e+00 : f32
    %max3A_22 = vector.broadcast %max3A : f32 to vector<1000x1xf32>
    %max3A_23 = arith.maximumf %add3A_19, %max3A_22 : vector<1000x1xf32>
    %div3A = arith.constant 1.000000e+00 : f32
    %div3A_24 = vector.broadcast %div3A : f32 to vector<1000x1xf32>
    %div3A_25 = arith.divf %div3A_24, %max3A_23 : vector<1000x1xf32>
    %jit3A = arith.constant 0.000000e+00 : f32
    %broadcast_in_dim3A = vector.broadcast %jit3A : f32 to vector<1000x1xf32>
    %select_n3A = arith.select %gt3A_21, %div3A_25, %broadcast_in_dim3A : vector<1000x1xi1>, vector<1000x1xf32>
    %mul3A = vector.broadcast %select_n3A : vector<1000x1xf32> to vector<1000x128xf32>
    %mul3A_26 = arith.mulf %mul3A, %add3A : vector<1000x128xf32>
    %get3A_27 = arith.constant 0 : index
    %get3A_28 = arith.constant 0 : index
    %get3A_29 = vector.load %arg4[%get3A_27, %get3A_28] : memref<1x128xf32, #tpu.memory_space<vmem>>, vector<1x128xf32>
    %add3A_30 = vector.broadcast %get3A_29 : vector<1x128xf32> to vector<1000x128xf32>
    %add3A_31 = arith.addf %mul3A_26, %add3A_30 : vector<1000x128xf32>
    %get3A_32 = arith.constant 0 : index
    %get3A_33 = arith.constant 0 : index
    %get3A_34 = vector.load %arg3[%get3A_32, %get3A_33] : memref<1000x128xf32, #tpu.memory_space<vmem>>, vector<1000x128xf32>
    %get3A_35 = arith.constant 0 : index
    %get3A_36 = arith.constant 0 : index
    %get3A_37 = vector.load %arg5[%get3A_35, %get3A_36] : memref<128x256xf32, #tpu.memory_space<vmem>>, vector<128x256xf32>
    %dot_general3A = arith.constant dense<0.000000e+00> : vector<1000x256xf32>
    %dot_general3A_38 = tpu.matmul %get3A_34, %get3A_37, %dot_general3A {dimension_numbers = #tpu.dot_dimension_numbers<[1], [0], [0], [1], [0, 0, 1, 1], [], []>, transpose_lhs_hint = false} : vector<1000x128xf32>, vector<128x256xf32>, vector<1000x256xf32> -> vector<1000x256xf32>
    %get3A_39 = arith.constant 0 : index
    %get3A_40 = arith.constant 0 : index
    %get3A_41 = vector.load %arg6[%get3A_39, %get3A_40] : memref<128x256xf32, #tpu.memory_space<vmem>>, vector<128x256xf32>
    %dot_general3A_42 = arith.constant dense<0.000000e+00> : vector<1000x256xf32>
    %dot_general3A_43 = tpu.matmul %add3A_31, %get3A_41, %dot_general3A_42 {dimension_numbers = #tpu.dot_dimension_numbers<[1], [0], [0], [1], [0, 0, 1, 1], [], []>, transpose_lhs_hint = false} : vector<1000x128xf32>, vector<128x256xf32>, vector<1000x256xf32> -> vector<1000x256xf32>
    %add3A_44 = arith.addf %dot_general3A_38, %dot_general3A_43 : vector<1000x256xf32>
    %get3A_45 = arith.constant 0 : index
    %get3A_46 = arith.constant 0 : index
    %get3A_47 = vector.load %arg7[%get3A_45, %get3A_46] : memref<1x256xf32, #tpu.memory_space<vmem>>, vector<1x256xf32>
    %add3A_48 = vector.broadcast %get3A_47 : vector<1x256xf32> to vector<1000x256xf32>
    %add3A_49 = arith.addf %add3A_44, %add3A_48 : vector<1000x256xf32>
    %max3A_50 = arith.constant 0.000000e+00 : f32
    %max3A_51 = vector.broadcast %max3A_50 : f32 to vector<1000x256xf32>
    %max3A_52 = arith.maximumf %add3A_49, %max3A_51 : vector<1000x256xf32>
    %get3A_53 = arith.constant 0 : index
    %get3A_54 = arith.constant 0 : index
    %get3A_55 = vector.load %arg8[%get3A_53, %get3A_54] : memref<128x256xf32, #tpu.memory_space<vmem>>, vector<128x256xf32>
    %dot_general3A_56 = arith.constant dense<0.000000e+00> : vector<1000x256xf32>
    %dot_general3A_57 = tpu.matmul %get3A_34, %get3A_55, %dot_general3A_56 {dimension_numbers = #tpu.dot_dimension_numbers<[1], [0], [0], [1], [0, 0, 1, 1], [], []>, transpose_lhs_hint = false} : vector<1000x128xf32>, vector<128x256xf32>, vector<1000x256xf32> -> vector<1000x256xf32>
    %get3A_58 = arith.constant 0 : index
    %get3A_59 = arith.constant 0 : index
    %get3A_60 = vector.load %arg9[%get3A_58, %get3A_59] : memref<128x256xf32, #tpu.memory_space<vmem>>, vector<128x256xf32>
    %dot_general3A_61 = arith.constant dense<0.000000e+00> : vector<1000x256xf32>
    %dot_general3A_62 = tpu.matmul %add3A_31, %get3A_60, %dot_general3A_61 {dimension_numbers = #tpu.dot_dimension_numbers<[1], [0], [0], [1], [0, 0, 1, 1], [], []>, transpose_lhs_hint = false} : vector<1000x128xf32>, vector<128x256xf32>, vector<1000x256xf32> -> vector<1000x256xf32>
    %add3A_63 = arith.addf %dot_general3A_57, %dot_general3A_62 : vector<1000x256xf32>
    %get3A_64 = arith.constant 0 : index
    %get3A_65 = arith.constant 0 : index
    %get3A_66 = vector.load %arg10[%get3A_64, %get3A_65] : memref<1x256xf32, #tpu.memory_space<vmem>>, vector<1x256xf32>
    %add3A_67 = vector.broadcast %get3A_66 : vector<1x256xf32> to vector<1000x256xf32>
    %add3A_68 = arith.addf %add3A_63, %add3A_67 : vector<1000x256xf32>
    %max3A_69 = arith.constant 0.000000e+00 : f32
    %max3A_70 = vector.broadcast %max3A_69 : f32 to vector<1000x256xf32>
    %max3A_71 = arith.maximumf %add3A_68, %max3A_70 : vector<1000x256xf32>
    %get3A_72 = arith.constant 0 : index
    %get3A_73 = arith.constant 0 : index
    %get3A_74 = vector.load %arg11[%get3A_72, %get3A_73] : memref<256x1xf32, #tpu.memory_space<vmem>>, vector<256x1xf32>
    %dot_general3A_75 = arith.constant dense<0.000000e+00> : vector<1000x1xf32>
    %dot_general3A_76 = tpu.matmul %max3A_52, %get3A_74, %dot_general3A_75 {dimension_numbers = #tpu.dot_dimension_numbers<[1], [0], [0], [1], [0, 0, 1, 1], [], []>, transpose_lhs_hint = false} : vector<1000x256xf32>, vector<256x1xf32>, vector<1000x1xf32> -> vector<1000x1xf32>
    %get3A_77 = arith.constant 0 : index
    %get3A_78 = arith.constant 0 : index
    %get3A_79 = vector.load %arg12[%get3A_77, %get3A_78] : memref<1x1xf32, #tpu.memory_space<vmem>>, vector<1x1xf32>
    %add3A_80 = vector.broadcast %get3A_79 : vector<1x1xf32> to vector<1000x1xf32>
    %add3A_81 = arith.addf %dot_general3A_76, %add3A_80 : vector<1000x1xf32>
    %swap3A = arith.constant 0 : index
    %swap3A_82 = arith.constant 0 : index
    %swap3A_83 = vector.load %arg16[%swap3A, %swap3A_82] : memref<1000x1xf32, #tpu.memory_space<vmem>>, vector<1000x1xf32>
    tpu.vector_store %arg16[%swap3A, %swap3A_82], %add3A_81 {strides = array<i32>} : memref<1000x1xf32, #tpu.memory_space<vmem>>, vector<1000x1xf32>,
    %get3A_84 = arith.constant 0 : index
    %get3A_85 = arith.constant 0 : index
    %get3A_86 = vector.load %arg13[%get3A_84, %get3A_85] : memref<256x1xf32, #tpu.memory_space<vmem>>, vector<256x1xf32>
    %dot_general3A_87 = arith.constant dense<0.000000e+00> : vector<1000x1xf32>
    %dot_general3A_88 = tpu.matmul %max3A_71, %get3A_86, %dot_general3A_87 {dimension_numbers = #tpu.dot_dimension_numbers<[1], [0], [0], [1], [0, 0, 1, 1], [], []>, transpose_lhs_hint = false} : vector<1000x256xf32>, vector<256x1xf32>, vector<1000x1xf32> -> vector<1000x1xf32>
    %get3A_89 = arith.constant 0 : index
    %get3A_90 = arith.constant 0 : index
    %get3A_91 = vector.load %arg14[%get3A_89, %get3A_90] : memref<1x1xf32, #tpu.memory_space<vmem>>, vector<1x1xf32>
    %add3A_92 = vector.broadcast %get3A_91 : vector<1x1xf32> to vector<1000x1xf32>
    %add3A_93 = arith.addf %dot_general3A_88, %add3A_92 : vector<1000x1xf32>
    %swap3A_94 = arith.constant 0 : index
    %swap3A_95 = arith.constant 0 : index
    %swap3A_96 = vector.load %arg15[%swap3A_94, %swap3A_95] : memref<1000x1xf32, #tpu.memory_space<vmem>>, vector<1000x1xf32>
    tpu.vector_store %arg15[%swap3A_94, %swap3A_95], %add3A_93 {strides = array<i32>} : memref<1000x1xf32, #tpu.memory_space<vmem>>, vector<1000x1xf32>,
    return
  }
  func.func @transform_0(%arg0: i32) -> (i32, i32, i32) {
    %c0_i32 = arith.constant 0 : i32
    %c0_i32_0 = arith.constant 0 : i32
    %c0_i32_1 = arith.constant 0 : i32
    return %c0_i32, %arg0, %c0_i32_0 : i32, i32, i32
  }
  func.func @transform_1(%arg0: i32) -> (i32, i32, i32) {
    %c0_i32 = arith.constant 0 : i32
    %c0_i32_0 = arith.constant 0 : i32
    %c0_i32_1 = arith.constant 0 : i32
    return %c0_i32, %arg0, %c0_i32_0 : i32, i32, i32
  }
  func.func @transform_2(%arg0: i32) -> (i32, i32) {
    %c0_i32 = arith.constant 0 : i32
    %c0_i32_0 = arith.constant 0 : i32
    return %arg0, %c0_i32 : i32, i32
  }
  func.func @transform_3(%arg0: i32) -> (i32, i32) {
    %c0_i32 = arith.constant 0 : i32
    %c0_i32_0 = arith.constant 0 : i32
    %c0_i32_1 = arith.constant 0 : i32
    return %c0_i32, %c0_i32_0 : i32, i32
  }
  func.func @transform_4(%arg0: i32) -> (i32, i32) {
    %c0_i32 = arith.constant 0 : i32
    %c0_i32_0 = arith.constant 0 : i32
    %c0_i32_1 = arith.constant 0 : i32
    return %c0_i32, %c0_i32_0 : i32, i32
  }
  func.func @transform_5(%arg0: i32) -> (i32, i32) {
    %c0_i32 = arith.constant 0 : i32
    %c0_i32_0 = arith.constant 0 : i32
    %c0_i32_1 = arith.constant 0 : i32
    return %c0_i32, %c0_i32_0 : i32, i32
  }
  func.func @transform_6(%arg0: i32) -> (i32, i32) {
    %c0_i32 = arith.constant 0 : i32
    %c0_i32_0 = arith.constant 0 : i32
    %c0_i32_1 = arith.constant 0 : i32
    return %c0_i32, %c0_i32_0 : i32, i32
  }
  func.func @transform_7(%arg0: i32) -> (i32, i32) {
    %c0_i32 = arith.constant 0 : i32
    %c0_i32_0 = arith.constant 0 : i32
    %c0_i32_1 = arith.constant 0 : i32
    return %c0_i32, %c0_i32_0 : i32, i32
  }
  func.func @transform_8(%arg0: i32) -> (i32, i32) {
    %c0_i32 = arith.constant 0 : i32
    %c0_i32_0 = arith.constant 0 : i32
    %c0_i32_1 = arith.constant 0 : i32
    return %c0_i32, %c0_i32_0 : i32, i32
  }
  func.func @transform_9(%arg0: i32) -> (i32, i32) {
    %c0_i32 = arith.constant 0 : i32
    %c0_i32_0 = arith.constant 0 : i32
    %c0_i32_1 = arith.constant 0 : i32
    return %c0_i32, %c0_i32_0 : i32, i32
  }
  func.func @transform_10(%arg0: i32) -> (i32, i32) {
    %c0_i32 = arith.constant 0 : i32
    %c0_i32_0 = arith.constant 0 : i32
    %c0_i32_1 = arith.constant 0 : i32
    return %c0_i32, %c0_i32_0 : i32, i32
  }
  func.func @transform_11(%arg0: i32) -> (i32, i32) {
    %c0_i32 = arith.constant 0 : i32
    %c0_i32_0 = arith.constant 0 : i32
    %c0_i32_1 = arith.constant 0 : i32
    return %c0_i32, %c0_i32_0 : i32, i32
  }
  func.func @transform_12(%arg0: i32) -> (i32, i32) {
    %c0_i32 = arith.constant 0 : i32
    %c0_i32_0 = arith.constant 0 : i32
    %c0_i32_1 = arith.constant 0 : i32
    return %c0_i32, %c0_i32_0 : i32, i32
  }
  func.func @transform_13(%arg0: i32) -> (i32, i32) {
    %c0_i32 = arith.constant 0 : i32
    %c0_i32_0 = arith.constant 0 : i32
    %c0_i32_1 = arith.constant 0 : i32
    return %c0_i32, %c0_i32_0 : i32, i32
  }
  func.func @transform_14(%arg0: i32) -> (i32, i32) {
    %c0_i32 = arith.constant 0 : i32
    %c0_i32_0 = arith.constant 0 : i32
    return %arg0, %c0_i32 : i32, i32
  }
  func.func @transform_15(%arg0: i32) -> (i32, i32) {
    %c0_i32 = arith.constant 0 : i32
    %c0_i32_0 = arith.constant 0 : i32
    return %arg0, %c0_i32 : i32, i32
  }
}

</mosaic_0001>

<sc_bundles>
// kernel: kernel.10.cloned.1.call-start
scs
__scs_entry_jumppad:
0x0: {  	(pc) =	sbr.rel $0x88, $3  }
0x1: {  	(tag) =	ssettag $0x0;
	lr =	simm.s32 $0x1  }
0x2: {  	[smem:$0x3F92] =	sst lr;
	_ =	strace $0xD0000000  }
0x3: {  	_ = 	snop  }
0x4: {  	_ = 	snop  }
0x5: {  	_ = 	snop  }
0x6: {  	_ = 	snop  }
0x7: {  	_ = 	snop  }
__scs_overlays_trampoline_lowered:
0x8: {  	[smem:$0x3FA1] =	sst s0  }
0x9: {  	[smem:$0x3FA2] =	sst s1  }
0xa: {  	[smem:$0x3FA3] =	sst s2  }
0xb: {  	[smem:$0x3FA4] =	sst s3  }
0xc: {  	[smem:$0x3FA5] =	sst s4  }
0xd: {  	[smem:$0x3FA6] =	sst s5  }
0xe: {  	[smem:$0x3FA7] =	sst s6  }
0xf: {  	[smem:$0x3FA8] =	sst s7  }
0x10: {  	[smem:$0x3FA9] =	sst s8  }
0x11: {  	[smem:$0x3FAA] =	sst s9;
	s0 =	simm.s32 @!p0 $0x0  }
0x12: {  	s1 =	sld [smem:$0x3F90];
	s0 =	simm.s32 @p0 $0x1  }
0x13: {  	[smem:$0x3FAB] =	sst s0;
	s0 =	simm.s32 @!p1 $0x0  }
0x14: {  	s2 =	sld [smem:$0x3F8F];
	s0 =	simm.s32 @p1 $0x1  }
0x15: {  	[smem:$0x3FAC] =	sst s0;
	s0 =	simm.s32 @!p2 $0x0  }
0x16: {  	s3 =	sld [smem:$0x3FDB];
	s0 =	simm.s32 @p2 $0x1  }
0x17: {  	s4 =	simm.s32 $0x1BF5;
	[smem:$0x3FAE] =	sst s0  }
0x18: {  	s0 =	sld [smem:$0x3F91];
	_ =	swait.ge [sflag:s4], $0x0  }
0x19: {  	s7 =	sld [smem:$0x3F92]  }
0x1a: {  	s8 =	sadd.s32 $0xFFFFE003, lr  }
0x1b: {  	s9 =	sadd.s32 $0xFFFFFEF7, lr;
	s5 =	simm.s32 $0xFFFFFFFF;
	p2 =	slt.u32 s8, $0xFFFFF086  }
0x1c: {  	p1 =	slt.u32 s9, $0xF7A;
	s5 =	simm.s32 @!p2 $0x0  }
0x1d: {  	s5 =	simm.s32 @p1 $0x1;
	p0 =	seq.s32 s7, s2  }
0x1e: {  	s7 =	smul.u32 @!p0 $0xF7A, s2;
	p2 =	seq.s32 @!p0 s5, $0x0  }
0x1f: {  	s9 =	smul.u32 $0xF7A, s1;
	s8 =	simm.s32 @!p0 $0x1BF5;
	p2 =	por !p2, p0  }
0x20: {  	[sflag:s8] =	ssyncset.s32 @!p0 $0xFFFFF086;
	s6 =	sadd.s32 @!p0 s3, s7;
	s7 =	simm.s32 @!p0 $0x108  }
0x21: {  	s3 =	sadd.s32 s3, s9;
	s6 =	sadd.s32 @!p0 $0x88, s6;
	s7 =	simm.s32 @p2 $0x1082  }
0x22: {  	[simem:s7], [sflag:s8] =	dma.local @!p0 [hbm:s6], $0xF7A  }
0x23: {  	s9 =	sor.u32 $0xD0000000, s2;
	s6 =	simm.s32 $0x108;
	_ =	swait.ge @!p0 [sflag:s8], $0x0  }
0x24: {  	s3 =	sadd.s32 $0x88, s3;
	s6 =	simm.s32 @!p1 $0x1082;
	[sflag:s4] =	ssyncset.s32 $0xFFFFF086  }
0x25: {  	[simem:s6], [sflag:s4] =	dma.local [hbm:s3], $0xF7A  }
0x26: {  	[smem:$0x3F92] =	sst s1;
	(tag) =	ssettag s2;
	_ =	strace s9  }
0x27: {  	s1 =	sld [smem:$0x3FA2]  }
0x28: {  	s2 =	sld [smem:$0x3FA3]  }
0x29: {  	s4 =	sld [smem:$0x3FA5]  }
0x2a: {  	p0 =	seq.s32 s5, $0x0;
	s5 =	sld [smem:$0x3FA6]  }
0x2b: {  	s6 =	sld [smem:$0x3FA7]  }
0x2c: {  	s7 =	sld [smem:$0x3FA8]  }
0x2d: {  	s3 =	simm.s32 $0x108;
	s8 =	sld [smem:$0x3FA9]  }
0x2e: {  	s3 =	simm.s32 @!p0 $0x1082;
	s9 =	sld [smem:$0x3FAA]  }
0x2f: {  	lr =	sadd.s32 s0, s3;
	s0 =	sld [smem:$0x3FA1]  }
0x30: {  	s3 =	sld [smem:$0x3FA4]  }
0x31: {  	[smem:$0x3FAD] =	sst s10  }
0x32: {  	s10 =	sld [smem:$0x3FAB];
	_ =	sdelay $0x3  }
0x33: {  	p0 =	seq.s32 s10, $0x1;
	s10 =	sld [smem:$0x3FAD];
	_ =	sdelay $0x3  }
0x34: {  	[smem:$0x3FAD] =	sst s10  }
0x35: {  	s10 =	sld [smem:$0x3FAC];
	_ =	sdelay $0x3  }
0x36: {  	p1 =	seq.s32 s10, $0x1;
	s10 =	sld [smem:$0x3FAD];
	_ =	sdelay $0x3  }
0x37: {  	[smem:$0x3FAD] =	sst s10  }
0x38: {  	s10 =	sld [smem:$0x3FAE]  }
0x39: {  	_ = 	snop;
	(pc) =	sbr.ind lr, $3  }
0x3a: {  	_ = 	snop  }
0x3b: {  	_ = 	snop  }
0x3c: {  	p2 =	seq.s32 s10, $0x1;
	s10 =	sld [smem:$0x3FAD]  }
0x3d: {  	_ =	shalt  }
0x3e: {  	_ =	shalt  }
0x3f: {  	_ =	shalt  }
0x40: {  	_ =	shalt  }
0x41: {  	_ =	shalt  }
0x42: {  	_ =	shalt  }
0x43: {  	_ =	shalt  }
0x44: {  	_ =	shalt  }
0x45: {  	_ =	shalt  }
0x46: {  	_ =	shalt  }
0x47: {  	_ =	shalt  }
0x48: {  	_ =	shalt  }
0x49: {  	_ =	shalt  }
0x4a: {  	_ =	shalt  }
0x4b: {  	_ =	shalt  }
0x4c: {  	_ =	shalt  }
0x4d: {  	_ =	shalt  }
0x4e: {  	_ =	shalt  }
0x4f: {  	_ =	shalt  }
0x50: {  	_ =	shalt  }
0x51: {  	_ =	shalt  }
0x52: {  	_ =	shalt  }
0x53: {  	_ =	shalt  }
0x54: {  	_ =	shalt  }
0x55: {  	_ =	shalt  }
0x56: {  	_ =	shalt  }
0x57: {  	_ =	shalt  }
0x58: {  	_ =	shalt  }
0x59: {  	_ =	shalt  }
0x5a: {  	_ =	shalt  }
0x5b: {  	_ =	shalt  }
0x5c: {  	_ =	shalt  }
0x5d: {  	_ =	shalt  }
0x5e: {  	_ =	shalt  }
0x5f: {  	_ =	shalt  }
0x60: {  	_ =	shalt  }
0x61: {  	_ =	shalt  }
0x62: {  	_ =	shalt  }
0x63: {  	_ =	shalt  }
0x64: {  	_ =	shalt  }
0x65: {  	_ =	shalt  }
0x66: {  	_ =	shalt  }
0x67: {  	_ =	shalt  }
0x68: {  	_ =	shalt  }
0x69: {  	_ =	shalt  }
0x6a: {  	_ =	shalt  }
0x6b: {  	_ =	shalt  }
0x6c: {  	_ =	shalt  }
0x6d: {  	_ =	shalt  }
0x6e: {  	_ =	shalt  }
0x6f: {  	_ =	shalt  }
0x70: {  	_ =	shalt  }
0x71: {  	_ =	shalt  }
0x72: {  	_ =	shalt  }
0x73: {  	_ =	shalt  }
0x74: {  	_ =	shalt  }
0x75: {  	_ =	shalt  }
0x76: {  	_ =	shalt  }
0x77: {  	_ =	shalt  }
0x78: {  	_ =	shalt  }
0x79: {  	_ =	shalt  }
0x7a: {  	_ =	shalt  }
0x7b: {  	_ =	shalt  }
0x7c: {  	_ =	shalt  }
0x7d: {  	_ =	shalt  }
0x7e: {  	_ =	shalt  }
0x7f: {  	_ =	shalt  }
0x80: {  	_ =	shalt  }
0x81: {  	_ =	shalt  }
0x82: {  	_ =	shalt  }
0x83: {  	_ =	shalt  }
0x84: {  	_ =	shalt  }
0x85: {  	_ =	shalt  }
0x86: {  	_ =	shalt  }
0x87: {  	_ =	shalt  }
.Lfunc_end0:
.L_simem_size_0:
called_computation.1_lowered:
.L_overlay_start_0:
0x88: {  	s2 =	sld [smem:$0x3FD9]  }
0x89: {  	s3 =	sld [smem:$0x3FFE];
	_ =	sdelay $0x1  }
0x8a: {  	s1 =	srdreg.scid  }
0x8b: {  	s0 =	sand.u32 $0x1, s1  }
0x8c: {  	s16 =	sshll.u32 s0, $0xA;
	s2 =	sadd.s32 s3, s2  }
0x8d: {  	s2 =	sadd.s32 s2, s16  }
0x8e: {  	[smem:$0x3FB9] =	sst s2  }
0x8f: {  	_ = 	snop  }
0x90: {  	(tm) =	ssettm $0x1  }
0x91: {  	s17 =	sld [smem:$0x3FFB];
	_ =	sdelay $0x3  }
0x92: {  	_ =	strace s17  }
0x93: {  	s2 =	sld [smem:$0x3FFC];
	_ =	sdelay $0x3  }
0x94: {  	_ =	strace s2  }
0x95: {  	s2 =	sld [smem:$0x3FFD];
	_ =	sdelay $0x3  }
0x96: {  	_ =	strace s2  }
0x97: {  	_ =	strace $0x8FFFFFFF  }
0x98: {  	s18 =	sld [smem:$0x3FDB];
	_ =	sdelay $0x1  }
0x99: {  	s19 =	simm.s32 $_scs_section_size  }
0x9a: {  	s4 =	simm.s32 $_size__tile_overlayer_lowered;
	s5 =	simm.s32 $_tile_overlayer_lowered  }
0x9b: {  	s22 =	simm.s32 $0x1BFF;
	s21 =	sshll.u32 s5, $0x1;
	s2 =	sadd.s32 s19, s18  }
0x9c: {  	s6 =	simm.s32 $0x0;
	s20 =	sshll.u32 s4, $0x1;
	s4 =	sadd.s32 s21, s2  }
0x9d: {  	[timem:s6], [sflag:s22] =	dma.local [hbm:s4], s20  }
0x9e: {  	_ =	swait.ge [sflag:s22], s20  }
0x9f: {  	s3 =	ssub.s32 $0x0, s20;
	[sflag:s22] =	ssyncset.done $0x0  }
0xa0: {  	[sflag:s22] =	ssyncadd.s32 s3;
	_ =	sdelay $0x1  }
0xa1: {  	s23 =	simm.s32 $0x1B8B  }
0xa2: {  	_ =	swait.ge [sflag:s23], $0x1  }
0xa3: {  	[sflag:s23] =	ssyncset.done $0x0  }
0xa4: {  	s25 =	simm.s32 $0x1B8E;
	s24 =	sld [smem:$0x3FFE];
	[sflag:s23] =	ssyncadd.s32 $0xFFFFFFFF  }
0xa5: {  	s26 =	simm.s32 $execute0_lowered;
	[smem:$0x3FD2] =	sst s25  }
0xa6: {  	s4 =	sshll.u32 s26, $0x1;
	_ =	strace $0x80000049;
	[dreg:$0x1] =	wrdreg $0xFFFFFFFF  }
0xa7: {  	s28 =	simm.s32 $_size_execute0_lowered;
	s2 =	sadd.s32 s2, s4;
	[dreg:$0x0] =	wrdreg $0x0  }
0xa8: {  	s4 =	sshll.u32 s28, $0x1;
	[dreg:$0x2] =	wrdreg s2  }
0xa9: {  	[dreg:$0x3] =	wrdreg s4  }
0xaa: {  	[dreg:$0x4] =	wrdreg $0xC0  }
0xab: {  	_ =	task [dreg:s6], $0x5FFFF  }
0xac: {  	[dreg:$0x1] =	wrdreg $0xFFFFFFFF  }
0xad: {  	[dreg:$0x0] =	wrdreg $0x60  }
0xae: {  	[dreg:$0x2] =	wrdreg s24  }
0xaf: {  	[dreg:$0x3] =	wrdreg $0x0  }
0xb0: {  	[dreg:$0x4] =	wrdreg $0x9  }
0xb1: {  	_ =	task.clear_ibuf [dreg:s6], $0x5FFFF;
	_ =	strace $0x90000049  }
0xb2: {  	s29 =	simm.s32 $0x9;
	_ =	strace $0x8000004B  }
0xb3: {  	_ =	swait.ge [sflag:s29], $0x1  }
0xb4: {  	[sflag:s29] =	ssyncadd.s32 $0xFFFFFFFF  }
0xb5: {  	_ =	strace $0x9000004B  }
0xb6: {  	_ =	sfence  }
0xb7: {  	s30 =	sld [smem:$0x0];
	_ =	sdelay $0x2  }
0xb8: {  	s31 =	sshll.u32 s1, $0xD;
	s1 =	sshrl.u32 s1, $0x2  }
0xb9: {  	s3 =	sand.u32 $0x4000, s31;
	s1 =	sadd.s32 s1, s30  }
0xba: {  	s0 =	sor.u32 s3, s0;
	s1 =	sshll.u32 s1, $0x11  }
0xbb: {  	s0 =	sor.u32 s1, s0  }
0xbc: {  	s0 =	sadd.s32 $0x8F2B, s0  }
0xbd: {  	[sflag:s0] =	ssyncadd.remote.s32 $0x1  }
0xbe: {  	_ =	sfence.sel $0xFFFF  }
0xbf: {  	[dreg:$0x0] =	wrdreg $0xFFFFFFFF;
	(pc) =	sbr.abs _section_cstart, $3  }
0xc0: {  	[dreg:$0x1] =	wrdreg $0xFFFFFFFF  }
0xc1: {  	_ =	task.clear_ibuf [dreg:s6], $0x2FFFF;
	_ =	strace $0x9FFFFFFF  }
0xc2: {  	(tm) =	ssettm $0x7FFFFFFF  }
0xc3: {  	_ =	shalt  }
tec
execute0_lowered:
.L_overlay_start_1:
0x0: {  	(tag) =	ssettag $0x1  }
0x1: {  	s8 =	rddreg [dreg:$0x0]  }
0x2: {  	s1 =	rddreg [dreg:$0x1];
	s3 =	simm.s32 $0x0  }
0x3: {  	s2 =	srdreg.scid;
	s0 =	stileid.u32;
	s17 =	simm.s32 $0x13E00  }
0x4: {  	s18 =	simm.s32 $0x80;
	s19 =	simm.s32 $0x14000;
	s20 =	simm.s32 $0x18000  }
0x5: {  	s21 =	simm.s32 $0x1;
	s22 =	simm.s32 $0x2;
	s23 =	simm.s32 $0x3  }
0x6: {  	s24 =	simm.s32 $0x4;
	s25 =	simm.s32 $0x5;
	s10 =	smul.u32 $0x13C00, s0  }
0x7: {  	[smem:$0x7FF] =	sst s3;
	s7 =	sand.u32 $0x1, s2;
	s11 =	smul.u32 $0x4F000, s0  }
0x8: {  	s4 =	sadd.s32 $0x2AE00, s8;
	s5 =	sadd.s32 $0x20E00, s8;
	s13 =	smul.u32 $0x2800, s0  }
0x9: {  	s6 =	sadd.s32 $0x16E00, s8;
	s30 =	sshll.u32 s0, $0x6;
	s9 =	smul.u32 $0x13C000, s7  }
0xa: {  	_ =	strace $0x8000004A;
	s26 =	smul.u32 $0x28000, s7;
	s12 =	ssub.s32 $0x2, s7  }
0xb: {  	s7 =	sadd.s32 $0x52000, s8;
	s28 =	sshrl.u32 s12, $0x1;
	s9 =	sadd.s32 s10, s9  }
0xc: {  	s29 =	sshrl.u32 s11, $0x2;
	s15 =	ssub.s32 s12, s28;
	s9 =	sshrl.u32 s9, $0x3  }
0xd: {  	s16 =	sadd.s32 s29, s1;
	s14 =	sadd.s32 s9, s8;
	s8 =	sadd.s32 s13, s26  }
0xe: {  	s9 =	sor.u32 $0x1C06, s30;
	s13 =	smax.u32 s15, $0x1;
	s15 =	simm.s32 $0x6  }
0xf: {  	s26 =	simm.s32 $0x0;
	s31 =	sshrl.u32 s8, $0x3;
	s12 =	sadd.s32 $0x54800, s14  }
0x10: {  	s14 =	sshrl.u32 s16, $0x3;
	s10 =	sadd.s32 s5, s31;
	s11 =	sadd.s32 s6, s31  }
.LBB2_1:
0x11: {  	[spmem:s14], [sflag:s9] =	dma.local [hbm:s7], $0x2780  }
0x12: {  	_ =	swait.ge [sflag:s15], $0x2780  }
0x13: {  	[sflag:s15] =	ssyncset.done $0x0  }
0x14: {  	s0 =	simm.s32 $0x13C00;
	[sflag:s15] =	ssyncadd.s32 $0xFFFFD880  }
0x15: {  	[tilespmem:s0], [sflag:$0x6] =	stream.linear.gather [hbm4b:s10+s3], $0x100, $0x38;
	[tilespmem:$0x1C000] =	vst v63  }
0x16: {  	_ =	swait.ge [sflag:s15], $0x100  }
0x17: {  	[sflag:s15] =	ssyncset.done $0x0  }
0x18: {  	s28 =	smin.u32 s21, $0x27;
	[sflag:s15] =	ssyncadd.s32 $0xFFFFFF00  }
0x19: {  	[tilespmem:s17], [sflag:$0x6] =	stream.linear.gather [hbm4b:s11+s3], $0x100, $0x38;
	[tilespmem:$0x1C000] =	vst v63  }
0x1a: {  	s28 =	sshll.u32 s28, $0x8;
	_ =	swait.ge [sflag:s15], $0x100  }
0x1b: {  	s30 =	sand.u32 $0x100, s3;
	s29 =	sand.u32 $0x3C00, s28;
	[sflag:s15] =	ssyncset.done $0x0  }
0x1c: {  	s28 =	sand.u32 $0x300, s28;
	s29 =	sadd.s32 s8, s29;
	[sflag:s15] =	ssyncadd.s32 $0xFFFFFF00  }
0x1d: {  	s31 =	sor.u32 $0x13C00, s30;
	s28 =	sor.u32 s28, s29;
	[bflag:$0x0] =	sbarrier.arrive $0xFFFF  }
0x1e: {  	[tilespmem:s19], [sflag:$0x1] =	stream.indirect.gather [hbm4b:s4+s18], $0x80, s31, s18, $0xb8;
	[tilespmem:$0x1C000] =	vst v63  }
0x1f: {  	s29 =	sor.u32 $0x13C80, s30;
	s28 =	sshrl.u32 s28, $0x3  }
0x20: {  	[tilespmem:s20], [sflag:$0x2] =	stream.indirect.gather [hbm4b:s4+s18], $0x80, s29, s18, $0xb8;
	[tilespmem:$0x1C000] =	vst v63  }
0x21: {  	s16 =	sadd.s32 s5, s28;
	s29 =	sxor.u32 $0x13D00, s30  }
0x22: {  	[tilespmem:s29], [sflag:$0x5] =	stream.linear.gather [hbm4b:s16+s3], $0x100, $0x38;
	[tilespmem:$0x1C000] =	vst v63  }
0x23: {  	s28 =	sadd.s32 s6, s28;
	s29 =	sxor.u32 $0x13F00, s30  }
0x24: {  	[tilespmem:s29], [sflag:$0x5] =	stream.linear.gather [hbm4b:s28+s3], $0x100, $0x38;
	[tilespmem:$0x1C000] =	vst v63  }
0x25: {  	_ =	swait.ge [sflag:s21], $0x4000  }
0x26: {  	[sflag:s21] =	ssyncset.done $0x0  }
0x27: {  	s28 =	sor.u32 $0x13E00, s30;
	[sflag:s21] =	ssyncadd.s32 $0xFFFFC000  }
0x28: {  	[spmem:s1] =	stream.indirect.scatter.add.f32 [tilespmem:s19], [sflag:$0x3], $0x80, s28, s18, $0xb8;
	[tilespmem:$0x1C000] =	vst v63  }
0x29: {  	_ =	swait.ge [sflag:s22], $0x4000  }
0x2a: {  	[sflag:s22] =	ssyncset.done $0x0  }
0x2b: {  	s28 =	sor.u32 $0x13E80, s30;
	[sflag:s22] =	ssyncadd.s32 $0xFFFFC000  }
0x2c: {  	[spmem:s1] =	stream.indirect.scatter.add.f32 [tilespmem:s20], [sflag:$0x4], $0x80, s28, s18, $0xb8;
	[tilespmem:$0x1C000] =	vst v63  }
0x2d: {  	_ =	swait.ge [sflag:s23], $0x4000  }
0x2e: {  	[sflag:s23] =	ssyncset.done $0x0  }
0x2f: {  	[sflag:s23] =	ssyncadd.s32 $0xFFFFC000  }
0x30: {  	_ =	swait.ge [sflag:s24], $0x4000  }
0x31: {  	[sflag:s24] =	ssyncset.done $0x0  }
0x32: {  	[sflag:s24] =	ssyncadd.s32 $0xFFFFC000  }
0x33: {  	s29 =	simm.s32 $0x2;
	_ =	swait.ge [sflag:s25], $0x100  }
0x34: {  	s30 =	smin.u32 s29, $0x27;
	s29 =	simm.s32 $0x100;
	[sflag:s25] =	ssyncset.done $0x0  }
0x35: {  	s30 =	sshll.u32 s30, $0x8;
	s28 =	simm.s32 $0x3;
	[sflag:s25] =	ssyncadd.s32 $0xFFFFFF00  }
.LBB2_2:
0x36: {  	s31 =	sand.u32 $0x100, s29;
	s0 =	sand.u32 $0x3C00, s30;
	_ =	swait.ge [sflag:s25], $0x100  }
0x37: {  	s30 =	sand.u32 $0x300, s30;
	s0 =	sadd.s32 s8, s0;
	[sflag:s25] =	ssyncset.done $0x0  }
0x38: {  	s2 =	sor.u32 $0x13C00, s31;
	s0 =	sor.u32 s30, s0;
	[sflag:s25] =	ssyncadd.s32 $0xFFFFFF00  }
0x39: {  	[tilespmem:s19], [sflag:$0x1] =	stream.indirect.gather [hbm4b:s4+s18], $0x80, s2, s18, $0xb8;
	[tilespmem:$0x1C000] =	vst v63  }
0x3a: {  	s30 =	sxor.u32 $0x13D00, s31;
	s2 =	sor.u32 $0x13C80, s31;
	s0 =	sshrl.u32 s0, $0x3  }
0x3b: {  	[tilespmem:s20], [sflag:$0x2] =	stream.indirect.gather [hbm4b:s4+s18], $0x80, s2, s18, $0xb8;
	[tilespmem:$0x1C000] =	vst v63  }
0x3c: {  	s16 =	sxor.u32 $0x13F00, s31;
	s2 =	sadd.s32 s5, s0;
	s0 =	sadd.s32 s6, s0  }
0x3d: {  	[tilespmem:s30], [sflag:$0x5] =	stream.linear.gather [hbm4b:s2+s3], $0x100, $0x38;
	[tilespmem:$0x1C000] =	vst v63  }
0x3e: {  	p0 =	sne.s32 s28, $0x28;
	s2 =	smov.u32 s28;
	s28 =	sadd.s32 $0x1, s28  }
0x3f: {  	[tilespmem:s16], [sflag:$0x5] =	stream.linear.gather [hbm4b:s0+s3], $0x100, $0x38;
	[tilespmem:$0x1C000] =	vst v63  }
0x40: {  	_ =	swait.ge [sflag:s21], $0x4000  }
0x41: {  	s0 =	sor.u32 $0x13E00, s31;
	[sflag:s21] =	ssyncset.done $0x0  }
0x42: {  	[sflag:s21] =	ssyncadd.s32 $0xFFFFC000  }
0x43: {  	[spmem:s1] =	stream.indirect.scatter.add.f32 [tilespmem:s19], [sflag:$0x3], $0x80, s0, s18, $0xb8;
	[tilespmem:$0x1C000] =	vst v63  }
0x44: {  	_ =	swait.ge [sflag:s22], $0x4000  }
0x45: {  	s0 =	sor.u32 $0x13E80, s31;
	[sflag:s22] =	ssyncset.done $0x0  }
0x46: {  	[sflag:s22] =	ssyncadd.s32 $0xFFFFC000  }
0x47: {  	[spmem:s1] =	stream.indirect.scatter.add.f32 [tilespmem:s20], [sflag:$0x4], $0x80, s0, s18, $0xb8;
	[tilespmem:$0x1C000] =	vst v63  }
0x48: {  	_ =	swait.ge [sflag:s23], $0x4000  }
0x49: {  	[sflag:s23] =	ssyncset.done $0x0  }
0x4a: {  	[sflag:s23] =	ssyncadd.s32 $0xFFFFC000  }
0x4b: {  	_ =	swait.ge [sflag:s24], $0x4000  }
.Ltmp0:
0x4c: {  	[sflag:s24] =	ssyncset.done $0x0;
	(pc) =	sbr.rel @p0 .LBB2_2-.Ltmp0, $4  }
0x4d: {  	[sflag:s24] =	ssyncadd.s32 $0xFFFFC000  }
0x4e: {  	_ =	swait.ge [sflag:s25], $0x100  }
0x4f: {  	s29 =	sadd.s32 $0x100, s29;
	s0 =	smin.u32 s2, $0x27;
	[sflag:s25] =	ssyncset.done $0x0  }
0x50: {  	s30 =	sshll.u32 s0, $0x8;
	[sflag:s25] =	ssyncadd.s32 $0xFFFFFF00  }
0x51: {  	s0 =	sand.u32 $0x100, s29;
	s2 =	sand.u32 $0x3C00, s30;
	_ =	swait.ge [sflag:s25], $0x100  }
0x52: {  	s16 =	sand.u32 $0x300, s30;
	s2 =	sadd.s32 s8, s2;
	[sflag:s25] =	ssyncset.done $0x0  }
0x53: {  	s28 =	sor.u32 $0x13C00, s0;
	s2 =	sor.u32 s16, s2;
	[sflag:s25] =	ssyncadd.s32 $0xFFFFFF00  }
0x54: {  	[tilespmem:s19], [sflag:$0x1] =	stream.indirect.gather [hbm4b:s4+s18], $0x80, s28, s18, $0xb8;
	[tilespmem:$0x1C000] =	vst v63  }
0x55: {  	s30 =	sor.u32 $0x13C80, s0;
	s2 =	sshrl.u32 s2, $0x3  }
0x56: {  	[tilespmem:s20], [sflag:$0x2] =	stream.indirect.gather [hbm4b:s4+s18], $0x80, s30, s18, $0xb8;
	[tilespmem:$0x1C000] =	vst v63  }
0x57: {  	s31 =	sxor.u32 $0x13D00, s0;
	s29 =	sadd.s32 s5, s2  }
0x58: {  	[tilespmem:s31], [sflag:$0x5] =	stream.linear.gather [hbm4b:s29+s3], $0x100, $0x38;
	[tilespmem:$0x1C000] =	vst v63  }
0x59: {  	s2 =	sadd.s32 s6, s2;
	s30 =	sxor.u32 $0x13F00, s0  }
0x5a: {  	[tilespmem:s30], [sflag:$0x5] =	stream.linear.gather [hbm4b:s2+s3], $0x100, $0x38;
	[tilespmem:$0x1C000] =	vst v63  }
0x5b: {  	_ =	swait.ge [sflag:s21], $0x4000  }
0x5c: {  	[sflag:s21] =	ssyncset.done $0x0  }
0x5d: {  	s31 =	sor.u32 $0x13E00, s0;
	[sflag:s21] =	ssyncadd.s32 $0xFFFFC000  }
0x5e: {  	[spmem:s1] =	stream.indirect.scatter.add.f32 [tilespmem:s19], [sflag:$0x3], $0x80, s31, s18, $0xb8;
	[tilespmem:$0x1C000] =	vst v63  }
0x5f: {  	_ =	swait.ge [sflag:s22], $0x4000  }
0x60: {  	[sflag:s22] =	ssyncset.done $0x0  }
0x61: {  	s0 =	sor.u32 $0x13E80, s0;
	[sflag:s22] =	ssyncadd.s32 $0xFFFFC000  }
0x62: {  	[spmem:s1] =	stream.indirect.scatter.add.f32 [tilespmem:s20], [sflag:$0x4], $0x80, s0, s18, $0xb8;
	[tilespmem:$0x1C000] =	vst v63  }
0x63: {  	_ =	swait.ge [sflag:s23], $0x4000  }
0x64: {  	[sflag:s23] =	ssyncset.done $0x0  }
0x65: {  	[sflag:s23] =	ssyncadd.s32 $0xFFFFC000  }
0x66: {  	_ =	swait.ge [sflag:s24], $0x4000  }
0x67: {  	[sflag:s24] =	ssyncset.done $0x0  }
0x68: {  	[sflag:s24] =	ssyncadd.s32 $0xFFFFC000  }
0x69: {  	_ =	swait.ge [sflag:s25], $0x100  }
0x6a: {  	[sflag:s25] =	ssyncset.done $0x0  }
0x6b: {  	[sflag:s25] =	ssyncadd.s32 $0xFFFFFF00  }
0x6c: {  	_ =	swait.ge [sflag:s25], $0x100  }
0x6d: {  	s26 =	sadd.s32 $0x1, s26;
	[sflag:s25] =	ssyncset.done $0x0  }
0x6e: {  	p0 =	sne.s32 s26, s13;
	[sflag:s25] =	ssyncadd.s32 $0xFFFFFF00  }
.Ltmp1:
0x6f: {  	[bflag:$0x0] =	sbarrier.arrive $0xFFFF;
	(pc) =	sbr.rel @p0 .LBB2_1-.Ltmp1, $4  }
0x70: {  	[hbm:s12], [sflag:s9] =	dma.local [spmem:s14], $0x2780  }
0x71: {  	_ =	swait.ge [sflag:s15], $0x2780  }
0x72: {  	[sflag:s15] =	ssyncset.done $0x0  }
0x73: {  	[sflag:s15] =	ssyncadd.s32 $0xFFFFD880  }
0x74: {  	_ =	sfence.sel $0x180000  }
0x75: {  	[bflag:$0x0] =	sbarrier.arrive $0xFFFF  }
0x76: {  	_ =	strace $0x9000004A  }
0x77: {  	s0 =	stileid.u32;
	[bflag:$0x2] =	sbarrier.arrive $0xFFFF  }
0x78: {  	p0 =	sne.s32 s0, $0x0;
	s0 =	rddreg [dreg:$0x2]  }
0x79: {  	s0 =	sadd.s32 @!p0 $0x100000, s0  }
0x7a: {  	[sflag:s0] =	ssyncadd.tile.s32 @!p0 $0x1;
	_ =	shalt  }
.Lfunc_end2:
_tile_overlayer_lowered:
.L_overlay_start_2:
0x7b: {  	(tag) =	ssettag $0x2  }
0x7c: {  	s0 =	rddreg [dreg:$0x0];
	s2 =	stileid.u32  }
0x7d: {  	s1 =	rddreg [dreg:$0x1];
	p0 =	sne.s32 s2, $0x0  }
0x7e: {  	s3 =	rddreg [dreg:$0x2];
	[bflag:$0x3] =	sbarrier.arrive $0xFFFF;
	s2 =	simm.s32 @!p0 $0x1C06  }
0x7f: {  	[timem:s3], [sflag:s2] =	dma.local @!p0 [hbm:s0], s1  }
0x80: {  	s0 =	simm.s32 @!p0 $0x6  }
0x81: {  	_ =	swait.ge @!p0 [sflag:s0], s1  }
0x82: {  	s1 =	ssub.s32 @!p0 $0x0, s1;
	[sflag:s0] =	ssyncset.done @!p0 $0x0  }
0x83: {  	[sflag:s0] =	ssyncadd.s32 @!p0 s1  }
0x84: {  	[bflag:$0x3] =	sbarrier.arrive $0xFFFF  }
0x85: {  	_ =	shalt  }

// kernel: kernel.7.cloned.1.call-start
scs
__scs_entry_jumppad:
0x0: {  	(pc) =	sbr.rel $0x88, $3  }
0x1: {  	(tag) =	ssettag $0x0;
	lr =	simm.s32 $0x1  }
0x2: {  	[smem:$0x3F92] =	sst lr;
	_ =	strace $0xD0000000  }
0x3: {  	_ = 	snop  }
0x4: {  	_ = 	snop  }
0x5: {  	_ = 	snop  }
0x6: {  	_ = 	snop  }
0x7: {  	_ = 	snop  }
__scs_overlays_trampoline_lowered:
0x8: {  	[smem:$0x3FA1] =	sst s0  }
0x9: {  	[smem:$0x3FA2] =	sst s1  }
0xa: {  	[smem:$0x3FA3] =	sst s2  }
0xb: {  	[smem:$0x3FA4] =	sst s3  }
0xc: {  	[smem:$0x3FA5] =	sst s4  }
0xd: {  	[smem:$0x3FA6] =	sst s5  }
0xe: {  	[smem:$0x3FA7] =	sst s6  }
0xf: {  	[smem:$0x3FA8] =	sst s7  }
0x10: {  	[smem:$0x3FA9] =	sst s8  }
0x11: {  	[smem:$0x3FAA] =	sst s9;
	s0 =	simm.s32 @!p0 $0x0  }
0x12: {  	s1 =	sld [smem:$0x3F90];
	s0 =	simm.s32 @p0 $0x1  }
0x13: {  	[smem:$0x3FAB] =	sst s0;
	s0 =	simm.s32 @!p1 $0x0  }
0x14: {  	s2 =	sld [smem:$0x3F8F];
	s0 =	simm.s32 @p1 $0x1  }
0x15: {  	[smem:$0x3FAC] =	sst s0;
	s0 =	simm.s32 @!p2 $0x0  }
0x16: {  	s3 =	sld [smem:$0x3FDB];
	s0 =	simm.s32 @p2 $0x1  }
0x17: {  	s4 =	simm.s32 $0x1BF5;
	[smem:$0x3FAE] =	sst s0  }
0x18: {  	s0 =	sld [smem:$0x3F91];
	_ =	swait.ge [sflag:s4], $0x0  }
0x19: {  	s7 =	sld [smem:$0x3F92]  }
0x1a: {  	s8 =	sadd.s32 $0xFFFFE003, lr  }
0x1b: {  	s9 =	sadd.s32 $0xFFFFFEF7, lr;
	s5 =	simm.s32 $0xFFFFFFFF;
	p2 =	slt.u32 s8, $0xFFFFF086  }
0x1c: {  	p1 =	slt.u32 s9, $0xF7A;
	s5 =	simm.s32 @!p2 $0x0  }
0x1d: {  	s5 =	simm.s32 @p1 $0x1;
	p0 =	seq.s32 s7, s2  }
0x1e: {  	s7 =	smul.u32 @!p0 $0xF7A, s2;
	p2 =	seq.s32 @!p0 s5, $0x0  }
0x1f: {  	s9 =	smul.u32 $0xF7A, s1;
	s8 =	simm.s32 @!p0 $0x1BF5;
	p2 =	por !p2, p0  }
0x20: {  	[sflag:s8] =	ssyncset.s32 @!p0 $0xFFFFF086;
	s6 =	sadd.s32 @!p0 s3, s7;
	s7 =	simm.s32 @!p0 $0x108  }
0x21: {  	s3 =	sadd.s32 s3, s9;
	s6 =	sadd.s32 @!p0 $0x88, s6;
	s7 =	simm.s32 @p2 $0x1082  }
0x22: {  	[simem:s7], [sflag:s8] =	dma.local @!p0 [hbm:s6], $0xF7A  }
0x23: {  	s9 =	sor.u32 $0xD0000000, s2;
	s6 =	simm.s32 $0x108;
	_ =	swait.ge @!p0 [sflag:s8], $0x0  }
0x24: {  	s3 =	sadd.s32 $0x88, s3;
	s6 =	simm.s32 @!p1 $0x1082;
	[sflag:s4] =	ssyncset.s32 $0xFFFFF086  }
0x25: {  	[simem:s6], [sflag:s4] =	dma.local [hbm:s3], $0xF7A  }
0x26: {  	[smem:$0x3F92] =	sst s1;
	(tag) =	ssettag s2;
	_ =	strace s9  }
0x27: {  	s1 =	sld [smem:$0x3FA2]  }
0x28: {  	s2 =	sld [smem:$0x3FA3]  }
0x29: {  	s4 =	sld [smem:$0x3FA5]  }
0x2a: {  	p0 =	seq.s32 s5, $0x0;
	s5 =	sld [smem:$0x3FA6]  }
0x2b: {  	s6 =	sld [smem:$0x3FA7]  }
0x2c: {  	s7 =	sld [smem:$0x3FA8]  }
0x2d: {  	s3 =	simm.s32 $0x108;
	s8 =	sld [smem:$0x3FA9]  }
0x2e: {  	s3 =	simm.s32 @!p0 $0x1082;
	s9 =	sld [smem:$0x3FAA]  }
0x2f: {  	lr =	sadd.s32 s0, s3;
	s0 =	sld [smem:$0x3FA1]  }
0x30: {  	s3 =	sld [smem:$0x3FA4]  }
0x31: {  	[smem:$0x3FAD] =	sst s10  }
0x32: {  	s10 =	sld [smem:$0x3FAB];
	_ =	sdelay $0x3  }
0x33: {  	p0 =	seq.s32 s10, $0x1;
	s10 =	sld [smem:$0x3FAD];
	_ =	sdelay $0x3  }
0x34: {  	[smem:$0x3FAD] =	sst s10  }
0x35: {  	s10 =	sld [smem:$0x3FAC];
	_ =	sdelay $0x3  }
0x36: {  	p1 =	seq.s32 s10, $0x1;
	s10 =	sld [smem:$0x3FAD];
	_ =	sdelay $0x3  }
0x37: {  	[smem:$0x3FAD] =	sst s10  }
0x38: {  	s10 =	sld [smem:$0x3FAE]  }
0x39: {  	_ = 	snop;
	(pc) =	sbr.ind lr, $3  }
0x3a: {  	_ = 	snop  }
0x3b: {  	_ = 	snop  }
0x3c: {  	p2 =	seq.s32 s10, $0x1;
	s10 =	sld [smem:$0x3FAD]  }
0x3d: {  	_ =	shalt  }
0x3e: {  	_ =	shalt  }
0x3f: {  	_ =	shalt  }
0x40: {  	_ =	shalt  }
0x41: {  	_ =	shalt  }
0x42: {  	_ =	shalt  }
0x43: {  	_ =	shalt  }
0x44: {  	_ =	shalt  }
0x45: {  	_ =	shalt  }
0x46: {  	_ =	shalt  }
0x47: {  	_ =	shalt  }
0x48: {  	_ =	shalt  }
0x49: {  	_ =	shalt  }
0x4a: {  	_ =	shalt  }
0x4b: {  	_ =	shalt  }
0x4c: {  	_ =	shalt  }
0x4d: {  	_ =	shalt  }
0x4e: {  	_ =	shalt  }
0x4f: {  	_ =	shalt  }
0x50: {  	_ =	shalt  }
0x51: {  	_ =	shalt  }
0x52: {  	_ =	shalt  }
0x53: {  	_ =	shalt  }
0x54: {  	_ =	shalt  }
0x55: {  	_ =	shalt  }
0x56: {  	_ =	shalt  }
0x57: {  	_ =	shalt  }
0x58: {  	_ =	shalt  }
0x59: {  	_ =	shalt  }
0x5a: {  	_ =	shalt  }
0x5b: {  	_ =	shalt  }
0x5c: {  	_ =	shalt  }
0x5d: {  	_ =	shalt  }
0x5e: {  	_ =	shalt  }
0x5f: {  	_ =	shalt  }
0x60: {  	_ =	shalt  }
0x61: {  	_ =	shalt  }
0x62: {  	_ =	shalt  }
0x63: {  	_ =	shalt  }
0x64: {  	_ =	shalt  }
0x65: {  	_ =	shalt  }
0x66: {  	_ =	shalt  }
0x67: {  	_ =	shalt  }
0x68: {  	_ =	shalt  }
0x69: {  	_ =	shalt  }
0x6a: {  	_ =	shalt  }
0x6b: {  	_ =	shalt  }
0x6c: {  	_ =	shalt  }
0x6d: {  	_ =	shalt  }
0x6e: {  	_ =	shalt  }
0x6f: {  	_ =	shalt  }
0x70: {  	_ =	shalt  }
0x71: {  	_ =	shalt  }
0x72: {  	_ =	shalt  }
0x73: {  	_ =	shalt  }
0x74: {  	_ =	shalt  }
0x75: {  	_ =	shalt  }
0x76: {  	_ =	shalt  }
0x77: {  	_ =	shalt  }
0x78: {  	_ =	shalt  }
0x79: {  	_ =	shalt  }
0x7a: {  	_ =	shalt  }
0x7b: {  	_ =	shalt  }
0x7c: {  	_ =	shalt  }
0x7d: {  	_ =	shalt  }
0x7e: {  	_ =	shalt  }
0x7f: {  	_ =	shalt  }
0x80: {  	_ =	shalt  }
0x81: {  	_ =	shalt  }
0x82: {  	_ =	shalt  }
0x83: {  	_ =	shalt  }
0x84: {  	_ =	shalt  }
0x85: {  	_ =	shalt  }
0x86: {  	_ =	shalt  }
0x87: {  	_ =	shalt  }
.Lfunc_end0:
.L_simem_size_0:
called_computation_lowered:
.L_overlay_start_0:
0x88: {  	s2 =	sld [smem:$0x3FD9]  }
0x89: {  	s3 =	sld [smem:$0x3FFE];
	_ =	sdelay $0x1  }
0x8a: {  	s1 =	srdreg.scid  }
0x8b: {  	s0 =	sand.u32 $0x1, s1  }
0x8c: {  	s14 =	sshll.u32 s0, $0xA;
	s2 =	sadd.s32 s3, s2  }
0x8d: {  	s2 =	sadd.s32 s2, s14  }
0x8e: {  	[smem:$0x3FB9] =	sst s2  }
0x8f: {  	_ = 	snop  }
0x90: {  	s2 =	sld [smem:$0x3FD0];
	_ =	sdelay $0x2  }
0x91: {  	s15 =	simm.s32 $0xA;
	s4 =	simm.s32 $0x10  }
0x92: {  	[smem:s4], [sflag:s15] =	dma.local [hbm:s2], $0x1  }
0x93: {  	_ =	swait.eq [sflag:s15], $0x1  }
0x94: {  	[sflag:s15] =	ssyncset.done $0x0  }
0x95: {  	s16 =	sld [smem:$0x10];
	[sflag:s15] =	ssyncadd.s32 $0xFFFFFFFF  }
0x96: {  	s17 =	sld [smem:$0x11];
	(tm) =	ssettm $0x1  }
0x97: {  	s18 =	sld [smem:$0x3FFB];
	_ =	sdelay $0x3  }
0x98: {  	_ =	strace s18  }
0x99: {  	s4 =	sld [smem:$0x3FFC];
	_ =	sdelay $0x3  }
0x9a: {  	_ =	strace s4  }
0x9b: {  	s4 =	sld [smem:$0x3FFD];
	_ =	sdelay $0x3  }
0x9c: {  	_ =	strace s4  }
0x9d: {  	_ =	strace $0x8FFFFFFF  }
0x9e: {  	s19 =	sld [smem:$0x3FDB];
	_ =	sdelay $0x1  }
0x9f: {  	s5 =	simm.s32 $_scs_section_size  }
0xa0: {  	s6 =	simm.s32 $_size__tile_overlayer_lowered;
	s7 =	simm.s32 $_tile_overlayer_lowered  }
0xa1: {  	s22 =	simm.s32 $0x1BFF;
	s21 =	sshll.u32 s7, $0x1;
	s4 =	sadd.s32 s5, s19  }
0xa2: {  	s8 =	simm.s32 $0x0;
	s20 =	sshll.u32 s6, $0x1;
	s6 =	sadd.s32 s21, s4  }
0xa3: {  	[timem:s8], [sflag:s22] =	dma.local [hbm:s6], s20  }
0xa4: {  	_ =	swait.ge [sflag:s22], s20  }
0xa5: {  	s5 =	ssub.s32 $0x0, s20;
	[sflag:s22] =	ssyncset.done $0x0  }
0xa6: {  	[sflag:s22] =	ssyncadd.s32 s5;
	_ =	sdelay $0x1  }
0xa7: {  	s23 =	simm.s32 $0x1B8B  }
0xa8: {  	_ =	swait.ge [sflag:s23], $0x1  }
0xa9: {  	[sflag:s23] =	ssyncset.done $0x0  }
0xaa: {  	s25 =	simm.s32 $0x1B8E;
	s24 =	sld [smem:$0x3FFE];
	[sflag:s23] =	ssyncadd.s32 $0xFFFFFFFF  }
0xab: {  	s26 =	simm.s32 $execute0_lowered;
	[smem:$0x3FD2] =	sst s25  }
0xac: {  	s6 =	sshll.u32 s26, $0x1;
	_ =	strace $0x80000046;
	[dreg:$0x1] =	wrdreg $0xFFFFFFFF  }
0xad: {  	s28 =	simm.s32 $_size_execute0_lowered;
	s4 =	sadd.s32 s4, s6;
	[dreg:$0x0] =	wrdreg $0x0  }
0xae: {  	s6 =	sshll.u32 s28, $0x1;
	[dreg:$0x2] =	wrdreg s4  }
0xaf: {  	[dreg:$0x3] =	wrdreg s6  }
0xb0: {  	[dreg:$0x4] =	wrdreg $0xC0  }
0xb1: {  	_ =	task [dreg:s8], $0x5FFFF  }
0xb2: {  	[dreg:$0x1] =	wrdreg $0xFFFFFFFF  }
0xb3: {  	[dreg:$0x0] =	wrdreg $0x60  }
0xb4: {  	[dreg:$0x2] =	wrdreg s24  }
0xb5: {  	[dreg:$0x3] =	wrdreg s17  }
0xb6: {  	[dreg:$0x4] =	wrdreg s16  }
0xb7: {  	[dreg:$0x5] =	wrdreg $0x0  }
0xb8: {  	[dreg:$0x6] =	wrdreg $0x1C0000  }
0xb9: {  	[dreg:$0x7] =	wrdreg $0x1C2780  }
0xba: {  	[dreg:$0x8] =	wrdreg $0x9  }
0xbb: {  	_ =	task.clear_ibuf [dreg:s8], $0x9FFFF;
	_ =	strace $0x90000046  }
0xbc: {  	s29 =	simm.s32 $0x9;
	_ =	strace $0x80000048  }
0xbd: {  	_ =	swait.ge [sflag:s29], $0x1  }
0xbe: {  	[sflag:s29] =	ssyncadd.s32 $0xFFFFFFFF  }
0xbf: {  	_ =	strace $0x90000048  }
0xc0: {  	_ =	sfence  }
0xc1: {  	s30 =	sld [smem:$0x0];
	_ =	sdelay $0x2  }
0xc2: {  	s31 =	sshll.u32 s1, $0xD;
	s1 =	sshrl.u32 s1, $0x2  }
0xc3: {  	s3 =	sand.u32 $0x4000, s31;
	s1 =	sadd.s32 s1, s30  }
0xc4: {  	s0 =	sor.u32 s3, s0;
	s1 =	sshll.u32 s1, $0x11  }
0xc5: {  	s0 =	sor.u32 s1, s0  }
0xc6: {  	s0 =	sadd.s32 $0x8F2B, s0  }
0xc7: {  	[sflag:s0] =	ssyncadd.remote.s32 $0x1  }
0xc8: {  	_ =	sfence.sel $0xFFFF  }
0xc9: {  	[dreg:$0x0] =	wrdreg $0xFFFFFFFF;
	(pc) =	sbr.abs _section_cstart, $3  }
0xca: {  	[dreg:$0x1] =	wrdreg $0xFFFFFFFF  }
0xcb: {  	_ =	task.clear_ibuf [dreg:s8], $0x2FFFF;
	_ =	strace $0x9FFFFFFF  }
0xcc: {  	(tm) =	ssettm $0x7FFFFFFF  }
0xcd: {  	_ =	shalt  }
tec
execute0_lowered:
.L_overlay_start_1:
0x0: {  	(tag) =	ssettag $0x1  }
0x1: {  	s0 =	rddreg [dreg:$0x0]  }
0x2: {  	s3 =	rddreg [dreg:$0x3]  }
0x3: {  	s4 =	rddreg [dreg:$0x4]  }
0x4: {  	s5 =	rddreg [dreg:$0x5];
	s1 =	srdreg.scid;
	s6 =	simm.s32 $0x0  }
0x5: {  	s2 =	stileid.u32;
	s28 =	simm.s32 $0x14000;
	s29 =	simm.s32 $0x18000  }
0x6: {  	s30 =	simm.s32 $0x1;
	s31 =	simm.s32 $0x2;
	s1 =	sand.u32 $0x1, s1  }
0x7: {  	[smem:$0x7FF] =	sst s6;
	s11 =	smul.u32 $0x13C00, s2;
	s7 =	sadd.s32 $0x2AE00, s0  }
0x8: {  	s8 =	sadd.s32 $0x2E00, s0;
	s9 =	sadd.s32 $0xCE00, s0;
	s20 =	smul.u32 $0x4F000, s2  }
0x9: {  	s12 =	sadd.s32 $0x52000, s0;
	s14 =	smul.u32 $0x2800, s2;
	s24 =	sshll.u32 s2, $0x6  }
0xa: {  	p0 =	sne.s32 s2, $0x0;
	s2 =	simm.s32 $0x4;
	s10 =	smul.u32 $0x13C000, s1  }
0xb: {  	_ =	strace $0x80000047;
	[dreg:$0x7] =	wrdreg s12;
	s21 =	smul.u32 $0x28000, s1  }
0xc: {  	s13 =	sshll.u32 s1, $0x4;
	s1 =	ssub.s32 $0x2, s1;
	s12 =	sor.u32 $0x1C06, s24  }
0xd: {  	s17 =	sshrl.u32 @!p0 s4, $0x3;
	s24 =	simm.s32 $0x5;
	s22 =	sshrl.u32 s1, $0x1  }
0xe: {  	s23 =	sshrl.u32 s20, $0x2;
	s20 =	simm.s32 $0x6;
	[dreg:$0xe] =	wrdreg s17  }
0xf: {  	s10 =	sadd.s32 s11, s10;
	s1 =	ssub.s32 s1, s22;
	s11 =	sadd.s32 s14, s21  }
0x10: {  	s10 =	sshrl.u32 s10, $0x3;
	s14 =	sshrl.u32 s11, $0x3;
	s26 =	smax.u32 s1, $0x1  }
0x11: {  	s1 =	simm.s32 $0x3;
	s15 =	sadd.s32 s8, s14;
	[dreg:$0xd] =	wrdreg s26  }
0x12: {  	s10 =	sadd.s32 s10, s0;
	s14 =	sadd.s32 s9, s14;
	[dreg:$0x8] =	wrdreg s15  }
0x13: {  	s0 =	sadd.s32 s13, s0;
	[dreg:$0x9] =	wrdreg s14;
	s10 =	sadd.s32 $0x55200, s10  }
0x14: {  	s13 =	sadd.s32 s23, s3;
	s25 =	sadd.s32 $0x54800, s0;
	[dreg:$0xa] =	wrdreg s10  }
0x15: {  	s23 =	simm.s32 $0x1C4F0;
	s0 =	sadd.s32 $0xA4200, s0;
	[dreg:$0xb] =	wrdreg s25  }
0x16: {  	s16 =	sshrl.u32 s13, $0x3;
	s13 =	sshrl.u32 @!p0 s5, $0x3;
	[dreg:$0xc] =	wrdreg s0  }
0x17: {  	s26 =	simm.s32 $0x80;
	s25 =	simm.s32 $0x0;
	[dreg:$0xf] =	wrdreg s13  }
.LBB2_1:
0x18: {  	s0 =	rddreg [dreg:$0x7]  }
0x19: {  	[spmem:s16], [sflag:s12] =	dma.local [hbm:s0], $0x2780  }
0x1a: {  	_ =	swait.ge [sflag:s20], $0x2780  }
0x1b: {  	[sflag:s20] =	ssyncset.done $0x0  }
0x1c: {  	[sflag:s20] =	ssyncadd.s32 $0xFFFFD880  }
0x1d: {  	s0 =	simm.s32 @!p0 $0x6;
	s10 =	rddreg [dreg:$0x1]  }
0x1e: {  	[spmem:s17], [sflag:s12] =	dma.local @!p0 [hbm:s10], $0x4F0  }
0x1f: {  	_ =	swait.ge @!p0 [sflag:s0], $0x4F0  }
0x20: {  	[sflag:s0] =	ssyncset.done @!p0 $0x0  }
0x21: {  	[sflag:s0] =	ssyncadd.s32 @!p0 $0xFFFFFB10  }
0x22: {  	[spmem:s13], [sflag:s12] =	dma.local @!p0 [hbm:s10], $0x4F0  }
0x23: {  	_ =	swait.ge @!p0 [sflag:s0], $0x4F0  }
0x24: {  	[sflag:s0] =	ssyncset.done @!p0 $0x0  }
0x25: {  	[sflag:s0] =	ssyncadd.s32 @!p0 $0xFFFFFB10  }
0x26: {  	s0 =	rddreg [dreg:$0x2]  }
0x27: {  	[tilespmem:s23], [sflag:$0x6] =	stream.linear.gather [hbm4b:s0+s6], $0x80, $0x38;
	[tilespmem:$0x1C570] =	vst v63  }
0x28: {  	_ =	swait.ge [sflag:s20], $0x80  }
0x29: {  	[sflag:s20] =	ssyncset.done $0x0  }
0x2a: {  	s13 =	simm.s32 $0x13C00;
	s10 =	rddreg [dreg:$0x8];
	[sflag:s20] =	ssyncadd.s32 $0xFFFFFF80  }
0x2b: {  	[tilespmem:s13], [sflag:$0x6] =	stream.linear.gather [hbm4b:s10+s6], $0x100, $0x38;
	[tilespmem:$0x1C570] =	vst v63  }
0x2c: {  	_ =	swait.ge [sflag:s20], $0x100  }
0x2d: {  	s22 =	smov.u32 s16;
	s15 =	simm.s32 $0x13E00;
	[sflag:s20] =	ssyncset.done $0x0  }
0x2e: {  	s16 =	smin.u32 s30, $0x27;
	s14 =	rddreg [dreg:$0x9];
	[sflag:s20] =	ssyncadd.s32 $0xFFFFFF00  }
0x2f: {  	[tilespmem:s15], [sflag:$0x6] =	stream.linear.gather [hbm4b:s14+s6], $0x100, $0x38;
	[tilespmem:$0x1C570] =	vst v63  }
0x30: {  	s0 =	sshll.u32 s16, $0x8;
	_ =	swait.ge [sflag:s20], $0x100  }
0x31: {  	s18 =	sand.u32 $0x100, s6;
	s17 =	sand.u32 $0x3C00, s0;
	[sflag:s20] =	ssyncset.done $0x0  }
0x32: {  	s0 =	sand.u32 $0x300, s0;
	s10 =	sadd.s32 s11, s17;
	[sflag:s20] =	ssyncadd.s32 $0xFFFFFF00  }
0x33: {  	s0 =	sor.u32 s0, s10;
	s14 =	sor.u32 $0x13C00, s18;
	[bflag:$0x0] =	sbarrier.arrive $0xFFFF  }
0x34: {  	[tilespmem:s28], [sflag:$0x1] =	stream.indirect.gather [hbm4b:s7+s26], $0x80, s14, s26, $0xb8;
	[tilespmem:$0x1C570] =	vst v63  }
0x35: {  	s19 =	sor.u32 $0x13C80, s18;
	s0 =	sshrl.u32 s0, $0x3  }
0x36: {  	[tilespmem:s29], [sflag:$0x2] =	stream.indirect.gather [hbm4b:s7+s26], $0x80, s19, s26, $0xb8;
	[tilespmem:$0x1C570] =	vst v63  }
0x37: {  	s21 =	sadd.s32 s8, s0;
	s15 =	sxor.u32 $0x13D00, s18  }
0x38: {  	[tilespmem:s15], [sflag:$0x5] =	stream.linear.gather [hbm4b:s21+s6], $0x100, $0x38;
	[tilespmem:$0x1C570] =	vst v63  }
0x39: {  	s16 =	sxor.u32 $0x13F00, s18;
	s0 =	sadd.s32 s9, s0  }
0x3a: {  	[tilespmem:s16], [sflag:$0x5] =	stream.linear.gather [hbm4b:s0+s6], $0x100, $0x38;
	[tilespmem:$0x1C570] =	vst v63  }
0x3b: {  	_ =	swait.ge [sflag:s30], $0x4000  }
0x3c: {  	[sflag:s30] =	ssyncset.done $0x0  }
0x3d: {  	s17 =	sor.u32 $0x13E00, s18;
	[sflag:s30] =	ssyncadd.s32 $0xFFFFC000  }
0x3e: {  	[spmem:s3] =	stream.indirect.scatter.add.f32 [tilespmem:s28], [sflag:$0x3], $0x80, s17, s26, $0xb8;
	[tilespmem:$0x1C570] =	vst v63  }
0x3f: {  	_ = 	snop  }
0x40: {  	[spmem:s4] =	stream.indirect.scatter.add.f32 [tilespmem:s23], [sflag:$0x3], $0x1, s17, s26, $0xb8;
	[tilespmem:$0x1C570] =	vst v63  }
0x41: {  	_ = 	snop  }
0x42: {  	[spmem:s5] =	stream.indirect.scatter.add.f32 [tilespmem:s23], [sflag:$0x3], $0x1, s14, s26, $0xb8;
	[tilespmem:$0x1C570] =	vst v63  }
0x43: {  	_ =	swait.ge [sflag:s31], $0x4000  }
0x44: {  	[sflag:s31] =	ssyncset.done $0x0  }
0x45: {  	s18 =	sor.u32 $0x13E80, s18;
	[sflag:s31] =	ssyncadd.s32 $0xFFFFC000  }
0x46: {  	[spmem:s3] =	stream.indirect.scatter.add.f32 [tilespmem:s29], [sflag:$0x4], $0x80, s18, s26, $0xb8;
	[tilespmem:$0x1C570] =	vst v63  }
0x47: {  	_ = 	snop  }
0x48: {  	[spmem:s4] =	stream.indirect.scatter.add.f32 [tilespmem:s23], [sflag:$0x4], $0x1, s18, s26, $0xb8;
	[tilespmem:$0x1C570] =	vst v63  }
0x49: {  	_ = 	snop  }
0x4a: {  	[spmem:s5] =	stream.indirect.scatter.add.f32 [tilespmem:s23], [sflag:$0x4], $0x1, s19, s26, $0xb8;
	[tilespmem:$0x1C570] =	vst v63  }
0x4b: {  	_ =	swait.ge [sflag:s1], $0x4000  }
0x4c: {  	[sflag:s1] =	ssyncset.done $0x0  }
0x4d: {  	[sflag:s1] =	ssyncadd.s32 $0xFFFFC000  }
0x4e: {  	_ =	swait.ge [sflag:s1], $0x80  }
0x4f: {  	[sflag:s1] =	ssyncset.done $0x0  }
0x50: {  	[sflag:s1] =	ssyncadd.s32 $0xFFFFFF80  }
0x51: {  	_ =	swait.ge [sflag:s1], $0x80  }
0x52: {  	[sflag:s1] =	ssyncset.done $0x0  }
0x53: {  	[sflag:s1] =	ssyncadd.s32 $0xFFFFFF80  }
0x54: {  	_ =	swait.ge [sflag:s2], $0x4000  }
0x55: {  	[sflag:s2] =	ssyncset.done $0x0  }
0x56: {  	[sflag:s2] =	ssyncadd.s32 $0xFFFFC000  }
0x57: {  	_ =	swait.ge [sflag:s2], $0x80  }
0x58: {  	[sflag:s2] =	ssyncset.done $0x0  }
0x59: {  	[sflag:s2] =	ssyncadd.s32 $0xFFFFFF80  }
0x5a: {  	_ =	swait.ge [sflag:s2], $0x80  }
0x5b: {  	[sflag:s2] =	ssyncset.done $0x0  }
0x5c: {  	[sflag:s2] =	ssyncadd.s32 $0xFFFFFF80  }
0x5d: {  	s19 =	simm.s32 $0x2;
	_ =	swait.ge [sflag:s24], $0x100  }
0x5e: {  	s10 =	simm.s32 $0x100;
	s21 =	smin.u32 s19, $0x27;
	[sflag:s24] =	ssyncset.done $0x0  }
0x5f: {  	s0 =	simm.s32 $0x3;
	s13 =	sshll.u32 s21, $0x8;
	[sflag:s24] =	ssyncadd.s32 $0xFFFFFF00  }
.LBB2_2:
0x60: {  	s14 =	sand.u32 $0x100, s10;
	s15 =	sand.u32 $0x3C00, s13;
	_ =	swait.ge [sflag:s24], $0x100  }
0x61: {  	s13 =	sand.u32 $0x300, s13;
	s15 =	sadd.s32 s11, s15;
	[sflag:s24] =	ssyncset.done $0x0  }
0x62: {  	s16 =	sor.u32 $0x13C00, s14;
	s13 =	sor.u32 s13, s15;
	[sflag:s24] =	ssyncadd.s32 $0xFFFFFF00  }
0x63: {  	[tilespmem:s28], [sflag:$0x1] =	stream.indirect.gather [hbm4b:s7+s26], $0x80, s16, s26, $0xb8;
	[tilespmem:$0x1C570] =	vst v63  }
0x64: {  	s17 =	sxor.u32 $0x13D00, s14;
	s15 =	sor.u32 $0x13C80, s14;
	s13 =	sshrl.u32 s13, $0x3  }
0x65: {  	[tilespmem:s29], [sflag:$0x2] =	stream.indirect.gather [hbm4b:s7+s26], $0x80, s15, s26, $0xb8;
	[tilespmem:$0x1C570] =	vst v63  }
0x66: {  	s19 =	sxor.u32 $0x13F00, s14;
	s18 =	sadd.s32 s8, s13;
	s21 =	sadd.s32 s9, s13  }
0x67: {  	[tilespmem:s17], [sflag:$0x5] =	stream.linear.gather [hbm4b:s18+s6], $0x100, $0x38;
	[tilespmem:$0x1C570] =	vst v63  }
0x68: {  	p1 =	sne.s32 s0, $0x28;
	s13 =	smov.u32 s0;
	s0 =	sadd.s32 $0x1, s0  }
0x69: {  	[tilespmem:s19], [sflag:$0x5] =	stream.linear.gather [hbm4b:s21+s6], $0x100, $0x38;
	[tilespmem:$0x1C570] =	vst v63  }
0x6a: {  	_ =	swait.ge [sflag:s30], $0x4000  }
0x6b: {  	s17 =	sor.u32 $0x13E00, s14;
	[sflag:s30] =	ssyncset.done $0x0  }
0x6c: {  	[sflag:s30] =	ssyncadd.s32 $0xFFFFC000  }
0x6d: {  	[spmem:s3] =	stream.indirect.scatter.add.f32 [tilespmem:s28], [sflag:$0x3], $0x80, s17, s26, $0xb8;
	[tilespmem:$0x1C570] =	vst v63  }
0x6e: {  	_ = 	snop  }
0x6f: {  	[spmem:s4] =	stream.indirect.scatter.add.f32 [tilespmem:s23], [sflag:$0x3], $0x1, s17, s26, $0xb8;
	[tilespmem:$0x1C570] =	vst v63  }
0x70: {  	_ = 	snop  }
0x71: {  	[spmem:s5] =	stream.indirect.scatter.add.f32 [tilespmem:s23], [sflag:$0x3], $0x1, s16, s26, $0xb8;
	[tilespmem:$0x1C570] =	vst v63  }
0x72: {  	_ =	swait.ge [sflag:s31], $0x4000  }
0x73: {  	s14 =	sor.u32 $0x13E80, s14;
	[sflag:s31] =	ssyncset.done $0x0  }
0x74: {  	[sflag:s31] =	ssyncadd.s32 $0xFFFFC000  }
0x75: {  	[spmem:s3] =	stream.indirect.scatter.add.f32 [tilespmem:s29], [sflag:$0x4], $0x80, s14, s26, $0xb8;
	[tilespmem:$0x1C570] =	vst v63  }
0x76: {  	_ = 	snop  }
0x77: {  	[spmem:s4] =	stream.indirect.scatter.add.f32 [tilespmem:s23], [sflag:$0x4], $0x1, s14, s26, $0xb8;
	[tilespmem:$0x1C570] =	vst v63  }
0x78: {  	_ = 	snop  }
0x79: {  	[spmem:s5] =	stream.indirect.scatter.add.f32 [tilespmem:s23], [sflag:$0x4], $0x1, s15, s26, $0xb8;
	[tilespmem:$0x1C570] =	vst v63  }
0x7a: {  	_ =	swait.ge [sflag:s1], $0x4000  }
0x7b: {  	[sflag:s1] =	ssyncset.done $0x0  }
0x7c: {  	[sflag:s1] =	ssyncadd.s32 $0xFFFFC000  }
0x7d: {  	_ =	swait.ge [sflag:s1], $0x80  }
0x7e: {  	[sflag:s1] =	ssyncset.done $0x0  }
0x7f: {  	[sflag:s1] =	ssyncadd.s32 $0xFFFFFF80  }
0x80: {  	_ =	swait.ge [sflag:s1], $0x80  }
0x81: {  	[sflag:s1] =	ssyncset.done $0x0  }
0x82: {  	[sflag:s1] =	ssyncadd.s32 $0xFFFFFF80  }
0x83: {  	_ =	swait.ge [sflag:s2], $0x4000  }
0x84: {  	[sflag:s2] =	ssyncset.done $0x0  }
0x85: {  	[sflag:s2] =	ssyncadd.s32 $0xFFFFC000  }
0x86: {  	_ =	swait.ge [sflag:s2], $0x80  }
0x87: {  	[sflag:s2] =	ssyncset.done $0x0  }
0x88: {  	[sflag:s2] =	ssyncadd.s32 $0xFFFFFF80  }
0x89: {  	_ =	swait.ge [sflag:s2], $0x80  }
.Ltmp0:
0x8a: {  	[sflag:s2] =	ssyncset.done $0x0;
	(pc) =	sbr.rel @p1 .LBB2_2-.Ltmp0, $4  }
0x8b: {  	[sflag:s2] =	ssyncadd.s32 $0xFFFFFF80  }
0x8c: {  	_ =	swait.ge [sflag:s24], $0x100  }
0x8d: {  	s10 =	sadd.s32 $0x100, s10;
	s13 =	smin.u32 s13, $0x27;
	[sflag:s24] =	ssyncset.done $0x0  }
0x8e: {  	s13 =	sshll.u32 s13, $0x8;
	[sflag:s24] =	ssyncadd.s32 $0xFFFFFF00  }
0x8f: {  	s0 =	sand.u32 $0x100, s10;
	s15 =	sand.u32 $0x3C00, s13;
	_ =	swait.ge [sflag:s24], $0x100  }
0x90: {  	s16 =	sand.u32 $0x300, s13;
	s10 =	sadd.s32 s11, s15;
	[sflag:s24] =	ssyncset.done $0x0  }
0x91: {  	s14 =	sor.u32 $0x13C00, s0;
	s10 =	sor.u32 s16, s10;
	[sflag:s24] =	ssyncadd.s32 $0xFFFFFF00  }
0x92: {  	[tilespmem:s28], [sflag:$0x1] =	stream.indirect.gather [hbm4b:s7+s26], $0x80, s14, s26, $0xb8;
	[tilespmem:$0x1C570] =	vst v63  }
0x93: {  	s17 =	sor.u32 $0x13C80, s0;
	s10 =	sshrl.u32 s10, $0x3  }
0x94: {  	[tilespmem:s29], [sflag:$0x2] =	stream.indirect.gather [hbm4b:s7+s26], $0x80, s17, s26, $0xb8;
	[tilespmem:$0x1C570] =	vst v63  }
0x95: {  	s15 =	sxor.u32 $0x13D00, s0;
	s16 =	sadd.s32 s8, s10  }
0x96: {  	[tilespmem:s15], [sflag:$0x5] =	stream.linear.gather [hbm4b:s16+s6], $0x100, $0x38;
	[tilespmem:$0x1C570] =	vst v63  }
0x97: {  	s18 =	sxor.u32 $0x13F00, s0;
	s10 =	sadd.s32 s9, s10  }
0x98: {  	[tilespmem:s18], [sflag:$0x5] =	stream.linear.gather [hbm4b:s10+s6], $0x100, $0x38;
	[tilespmem:$0x1C570] =	vst v63  }
0x99: {  	_ =	swait.ge [sflag:s30], $0x4000  }
0x9a: {  	[sflag:s30] =	ssyncset.done $0x0  }
0x9b: {  	s19 =	sor.u32 $0x13E00, s0;
	[sflag:s30] =	ssyncadd.s32 $0xFFFFC000  }
0x9c: {  	[spmem:s3] =	stream.indirect.scatter.add.f32 [tilespmem:s28], [sflag:$0x3], $0x80, s19, s26, $0xb8;
	[tilespmem:$0x1C570] =	vst v63  }
0x9d: {  	_ = 	snop  }
0x9e: {  	[spmem:s4] =	stream.indirect.scatter.add.f32 [tilespmem:s23], [sflag:$0x3], $0x1, s19, s26, $0xb8;
	[tilespmem:$0x1C570] =	vst v63  }
0x9f: {  	_ = 	snop  }
0xa0: {  	[spmem:s5] =	stream.indirect.scatter.add.f32 [tilespmem:s23], [sflag:$0x3], $0x1, s14, s26, $0xb8;
	[tilespmem:$0x1C570] =	vst v63  }
0xa1: {  	_ =	swait.ge [sflag:s31], $0x4000  }
0xa2: {  	[sflag:s31] =	ssyncset.done $0x0  }
0xa3: {  	s0 =	sor.u32 $0x13E80, s0;
	[sflag:s31] =	ssyncadd.s32 $0xFFFFC000  }
0xa4: {  	[spmem:s3] =	stream.indirect.scatter.add.f32 [tilespmem:s29], [sflag:$0x4], $0x80, s0, s26, $0xb8;
	[tilespmem:$0x1C570] =	vst v63  }
0xa5: {  	_ = 	snop  }
0xa6: {  	[spmem:s4] =	stream.indirect.scatter.add.f32 [tilespmem:s23], [sflag:$0x4], $0x1, s0, s26, $0xb8;
	[tilespmem:$0x1C570] =	vst v63  }
0xa7: {  	_ = 	snop  }
0xa8: {  	[spmem:s5] =	stream.indirect.scatter.add.f32 [tilespmem:s23], [sflag:$0x4], $0x1, s17, s26, $0xb8;
	[tilespmem:$0x1C570] =	vst v63  }
0xa9: {  	_ =	swait.ge [sflag:s1], $0x4000  }
0xaa: {  	[sflag:s1] =	ssyncset.done $0x0  }
0xab: {  	[sflag:s1] =	ssyncadd.s32 $0xFFFFC000  }
0xac: {  	_ =	swait.ge [sflag:s1], $0x80  }
0xad: {  	[sflag:s1] =	ssyncset.done $0x0  }
0xae: {  	[sflag:s1] =	ssyncadd.s32 $0xFFFFFF80  }
0xaf: {  	_ =	swait.ge [sflag:s1], $0x80  }
0xb0: {  	[sflag:s1] =	ssyncset.done $0x0  }
0xb1: {  	[sflag:s1] =	ssyncadd.s32 $0xFFFFFF80  }
0xb2: {  	_ =	swait.ge [sflag:s2], $0x4000  }
0xb3: {  	[sflag:s2] =	ssyncset.done $0x0  }
0xb4: {  	[sflag:s2] =	ssyncadd.s32 $0xFFFFC000  }
0xb5: {  	_ =	swait.ge [sflag:s2], $0x80  }
0xb6: {  	[sflag:s2] =	ssyncset.done $0x0  }
0xb7: {  	[sflag:s2] =	ssyncadd.s32 $0xFFFFFF80  }
0xb8: {  	_ =	swait.ge [sflag:s2], $0x80  }
0xb9: {  	[sflag:s2] =	ssyncset.done $0x0  }
0xba: {  	[sflag:s2] =	ssyncadd.s32 $0xFFFFFF80  }
0xbb: {  	_ =	swait.ge [sflag:s24], $0x100  }
0xbc: {  	[sflag:s24] =	ssyncset.done $0x0  }
0xbd: {  	[sflag:s24] =	ssyncadd.s32 $0xFFFFFF00  }
0xbe: {  	_ =	swait.ge [sflag:s24], $0x100  }
0xbf: {  	[sflag:s24] =	ssyncset.done $0x0  }
0xc0: {  	[sflag:s24] =	ssyncadd.s32 $0xFFFFFF00  }
0xc1: {  	[bflag:$0x0] =	sbarrier.arrive $0xFFFF  }
0xc2: {  	s21 =	rddreg [dreg:$0xa]  }
0xc3: {  	[hbm:s21], [sflag:s12] =	dma.local [spmem:s22], $0x2780  }
0xc4: {  	s13 =	simm.s32 @!p0 $0x10;
	_ =	swait.ge [sflag:s20], $0x2780  }
0xc5: {  	s10 =	simm.s32 @!p0 $0x20;
	[sflag:s20] =	ssyncset.done $0x0;
	s14 =	rddreg [dreg:$0xb]  }
0xc6: {  	s0 =	simm.s32 @!p0 $0x1;
	s17 =	rddreg [dreg:$0xe];
	[sflag:s20] =	ssyncadd.s32 $0xFFFFD880  }
0xc7: {  	[hbm:s14@s10], [sflag:s12] =	dma.strided @!p0 [spmem:s17@s13], $0x4F0, s0, $0x10   }
0xc8: {  	s14 =	simm.s32 @!p0 $0x6  }
0xc9: {  	_ =	swait.ge @!p0 [sflag:s14], $0x4F0  }
0xca: {  	[sflag:s14] =	ssyncset.done @!p0 $0x0;
	s15 =	rddreg [dreg:$0xc]  }
0xcb: {  	s18 =	rddreg [dreg:$0xf];
	[sflag:s14] =	ssyncadd.s32 @!p0 $0xFFFFFB10  }
0xcc: {  	[hbm:s15@s10], [sflag:s12] =	dma.strided @!p0 [spmem:s18@s13], $0x4F0, s0, $0x10   }
0xcd: {  	_ =	swait.ge @!p0 [sflag:s14], $0x4F0  }
0xce: {  	s25 =	sadd.s32 $0x1, s25;
	s16 =	smov.u32 s22;
	s22 =	rddreg [dreg:$0xd]  }
0xcf: {  	p1 =	sne.s32 s25, s22  }
.Ltmp1:
0xd0: {  	_ = 	snop;
	(pc) =	sbr.rel @p1 .LBB2_1-.Ltmp1, $3  }
0xd1: {  	_ =	sdelay $0x1  }
0xd2: {  	[sflag:s14] =	ssyncset.done @!p0 $0x0  }
0xd3: {  	s13 =	smov.u32 s18;
	[sflag:s14] =	ssyncadd.s32 @!p0 $0xFFFFFB10  }
0xd4: {  	_ =	sfence.sel $0x180000  }
0xd5: {  	[bflag:$0x0] =	sbarrier.arrive $0xFFFF  }
0xd6: {  	_ =	strace $0x90000047  }
0xd7: {  	[bflag:$0x2] =	sbarrier.arrive $0xFFFF  }
0xd8: {  	s0 =	rddreg [dreg:$0x6]  }
0xd9: {  	s0 =	sadd.s32 @!p0 $0x100000, s0  }
0xda: {  	[sflag:s0] =	ssyncadd.tile.s32 @!p0 $0x1;
	_ =	shalt  }
.Lfunc_end2:
_tile_overlayer_lowered:
.L_overlay_start_2:
0xdb: {  	(tag) =	ssettag $0x2  }
0xdc: {  	s0 =	rddreg [dreg:$0x0];
	s2 =	stileid.u32  }
0xdd: {  	s1 =	rddreg [dreg:$0x1];
	p0 =	sne.s32 s2, $0x0  }
0xde: {  	s3 =	rddreg [dreg:$0x2];
	[bflag:$0x3] =	sbarrier.arrive $0xFFFF;
	s2 =	simm.s32 @!p0 $0x1C06  }
0xdf: {  	[timem:s3], [sflag:s2] =	dma.local @!p0 [hbm:s0], s1  }
0xe0: {  	s0 =	simm.s32 @!p0 $0x6  }
0xe1: {  	_ =	swait.ge @!p0 [sflag:s0], s1  }
0xe2: {  	s1 =	ssub.s32 @!p0 $0x0, s1;
	[sflag:s0] =	ssyncset.done @!p0 $0x0  }
0xe3: {  	[sflag:s0] =	ssyncadd.s32 @!p0 s1  }
0xe4: {  	[bflag:$0x3] =	sbarrier.arrive $0xFFFF  }
0xe5: {  	_ =	shalt  }

</sc_bundles>
